<compile_context>
chip_gen: v7x
topology: tpu7x:2x2x1
jax: 0.10.2.dev20260603
libtpu: 0.0.44.dev20260713+nightly
codegen_flags: <defaults>
</compile_context>

<pallas_src>
import jax
import jax.numpy as jnp
from jax import lax
from jax.experimental import pallas as pl
from jax.experimental.pallas import tpu as pltpu
from jax.experimental.pallas import tpu_sc as plsc

N_NODES = 10000
N_EDGES = 320000
D = 128
DE = 16
NEG = 0.01

NC = 2
NS = 16
NW = NC * NS

EPW = N_EDGES // NW
C = 80
NCH = EPW // C
NPAIR = (NCH - 1) // 2

N_PAD = 10240
ROWS_PER_TILE = N_PAD // NS

def _leaky(v):
    return jnp.where(v >= 0, v, NEG * v)


def _prep_body(x_ref, wt_ref, b_ref, h_ref):
    v = jnp.dot(x_ref[...], wt_ref[...], preferred_element_type=jnp.float32)
    h_ref[...] = _leaky(v + b_ref[...])


def _prep(x, wt, b):
    rb = 2000
    return pl.pallas_call(
        _prep_body,
        grid=(N_NODES // rb,),
        in_specs=[
            pl.BlockSpec((rb, D), lambda i: (i, 0)),
            pl.BlockSpec((D, D), lambda i: (0, 0)),
            pl.BlockSpec((1, D), lambda i: (0, 0)),
        ],
        out_specs=pl.BlockSpec((rb, D), lambda i: (i, 0)),
        out_shape=jax.ShapeDtypeStruct((N_NODES, D), jnp.float32),
    )(x, wt, b)


def _edge_body(ewt_ref, w_ref, b_ref, e_ref):
    v = lax.dot_general(ewt_ref[...], w_ref[...],
                        dimension_numbers=(((0,), (0,)), ((), ())),
                        preferred_element_type=jnp.float32)
    v = v + b_ref[...]
    r = lax.bitcast_convert_type(v, jnp.uint32) + jnp.uint32(0x8000)
    e_ref[...] = (r[:, :D // 2] >> jnp.uint32(16)) | (r[:, D // 2:] & jnp.uint32(0xFFFF0000))


def _edge_lin(ewt, w, b):
    eb = 16000
    return pl.pallas_call(
        _edge_body,
        grid=(N_EDGES // eb,),
        in_specs=[
            pl.BlockSpec((DE, eb), lambda i: (0, i)),
            pl.BlockSpec((DE, D), lambda i: (0, 0)),
            pl.BlockSpec((1, D), lambda i: (0, 0)),
        ],
        out_specs=pl.BlockSpec((eb, D // 2), lambda i: (i, 0)),
        out_shape=jax.ShapeDtypeStruct((N_EDGES, D // 2), jnp.uint32),
    )(ewt, w, b)


def _sc_agg_body(h_hbm, src_hbm, dst_hbm, e_hbm, out_hbm,
                 sb0, sb1, db0, db1, hg0, hg1, ev0, ev1, agg_sh,
                 si0, si1, sd0, sd1, sg0, sg1, se0, se1, ss0, ss1):
    cid = lax.axis_index("c")
    sid = lax.axis_index("s")
    wid = sid * NC + cid
    ebase = wid * EPW

    sb = (sb0, sb1)
    db = (db0, db1)
    hg = (hg0, hg1)
    ev = (ev0, ev1)
    si = (si0, si1)
    sd = (sd0, sd1)
    sg = (sg0, sg1)
    se = (se0, se1)
    ss = (ss0, ss1)

    zero = jnp.zeros((16,), jnp.float32)

    def zbody(i, _):
        for j in range(D // 16):
            hg0[i, pl.ds(j * 16, 16)] = zero
        return 0

    lax.fori_loop(0, C, zbody, 0)
    r0 = sid * ROWS_PER_TILE
    for t in range(ROWS_PER_TILE // C):
        pltpu.sync_copy(hg0, agg_sh.at[pl.ds(r0 + t * C, C)])
    plsc.subcore_barrier()

    def issue_src(b, c):
        pltpu.async_copy(src_hbm.at[pl.ds(ebase + c * C, C)], sb[b], si[b])

    def issue_dst(b, c):
        pltpu.async_copy(dst_hbm.at[pl.ds(ebase + c * C, C)], db[b], sd[b])

    def issue_data(b, c):
        pltpu.async_copy(h_hbm.at[sb[b]], hg[b], sg[b])
        pltpu.async_copy(e_hbm.at[pl.ds(ebase + c * C, C)], ev[b], se[b])

    def wait_src(b):
        pltpu.make_async_copy(src_hbm.at[pl.ds(0, C)], sb[b], si[b]).wait()

    def wait_dst(b):
        pltpu.make_async_copy(dst_hbm.at[pl.ds(0, C)], db[b], sd[b]).wait()

    def wait_data(b):
        pltpu.make_async_copy(h_hbm.at[sb[b]], hg[b], sg[b]).wait()
        pltpu.make_async_copy(e_hbm.at[pl.ds(0, C)], ev[b], se[b]).wait()

    hi_mask = jnp.uint32(0xFFFF0000)
    sixteen = jnp.uint32(16)

    def compute(b):
        def cbody(i, _):
            for q in range(D // 32):
                w = ev[b][i, pl.ds(16 * q, 16)]
                u = lax.bitcast_convert_type(w << sixteen, jnp.float32)
                v = lax.bitcast_convert_type(w & hi_mask, jnp.float32)
                s0 = pl.ds(16 * q, 16)
                s1 = pl.ds(D // 2 + 16 * q, 16)
                hg[b][i, s0] = jnp.maximum(hg[b][i, s0] + u, 0.0)
                hg[b][i, s1] = jnp.maximum(hg[b][i, s1] + v, 0.0)
            return 0
        lax.fori_loop(0, C, cbody, 0)

    issue_src(0, 0)
    issue_dst(0, 0)
    issue_src(1, 1)
    issue_dst(1, 1)
    wait_src(0)
    issue_data(0, 0)

    def wait_scatter(b):
        pltpu.make_async_copy(hg[b], agg_sh.at[db[b]], ss[b]).wait()

    def body(j, _):
        for b in (0, 1):
            nb = 1 - b
            c = 2 * j + b
            c2 = jnp.minimum(c + 2, NCH - 1)
            wait_src(nb)
            if b == 0:
                @pl.when(j > 0)
                def _():
                    wait_scatter(nb)
            else:
                wait_scatter(nb)
            issue_data(nb, c + 1)
            wait_data(b)
            issue_src(b, c2)
            compute(b)
            wait_dst(b)
            pltpu.async_copy(hg[b], agg_sh.at[db[b]], ss[b], add=True)
            issue_dst(b, c2)
        return 0

    lax.fori_loop(0, NPAIR, body, 0)

    wait_data(0)
    compute(0)
    wait_dst(0)
    pltpu.async_copy(hg[0], agg_sh.at[db[0]], ss[0], add=True)
    wait_scatter(1)
    wait_scatter(0)
    wait_src(1)
    wait_dst(1)

    plsc.subcore_barrier()

    pltpu.sync_copy(agg_sh.at[pl.ds(r0, ROWS_PER_TILE)],
                    out_hbm.at[cid, pl.ds(r0, ROWS_PER_TILE)])


_sc_agg = pl.kernel(
    _sc_agg_body,
    out_type=jax.ShapeDtypeStruct((NC, N_PAD, D), jnp.float32),
    mesh=plsc.VectorSubcoreMesh(core_axis_name="c", subcore_axis_name="s"),
    scratch_types=[
        pltpu.VMEM((C,), jnp.int32),
        pltpu.VMEM((C,), jnp.int32),
        pltpu.VMEM((C,), jnp.int32),
        pltpu.VMEM((C,), jnp.int32),
        pltpu.VMEM((C, D), jnp.float32),
        pltpu.VMEM((C, D), jnp.float32),
        pltpu.VMEM((C, D // 2), jnp.uint32),
        pltpu.VMEM((C, D // 2), jnp.uint32),
        pltpu.VMEM_SHARED((N_PAD, D), jnp.float32),
        pltpu.SemaphoreType.DMA,
        pltpu.SemaphoreType.DMA,
        pltpu.SemaphoreType.DMA,
        pltpu.SemaphoreType.DMA,
        pltpu.SemaphoreType.DMA,
        pltpu.SemaphoreType.DMA,
        pltpu.SemaphoreType.DMA,
        pltpu.SemaphoreType.DMA,
        pltpu.SemaphoreType.DMA,
        pltpu.SemaphoreType.DMA,
    ],
)


def _post_body(agg_ref0, agg_ref1, h_ref, w1t, b1r, w2t, b2r, wpz, wph, bp,
               out_ref):
    h = h_ref[...]
    z = agg_ref0[0] + agg_ref1[0] + h
    z = _leaky(jnp.dot(z, w1t[...], preferred_element_type=jnp.float32) + b1r[...])
    z = jnp.tanh(jnp.dot(z, w2t[...], preferred_element_type=jnp.float32) + b2r[...])
    o = (jnp.dot(z, wpz[...], preferred_element_type=jnp.float32)
         + jnp.dot(h, wph[...], preferred_element_type=jnp.float32) + bp[...])
    out_ref[...] = jnp.tanh(o)


def _post(agg2, h, w1t, b1, w2t, b2, wpz, wph, bp):
    rb = 2000
    mat = pl.BlockSpec((rb, D), lambda i: (i, 0))
    wsp = pl.BlockSpec((D, D), lambda i: (0, 0))
    bsp = pl.BlockSpec((1, D), lambda i: (0, 0))
    a0 = pl.BlockSpec((1, rb, D), lambda i: (0, i, 0))
    a1 = pl.BlockSpec((1, rb, D), lambda i: (1, i, 0))
    return pl.pallas_call(
        _post_body,
        grid=(N_NODES // rb,),
        in_specs=[a0, a1, mat, wsp, bsp, wsp, bsp, wsp, wsp, bsp],
        out_specs=mat,
        out_shape=jax.ShapeDtypeStruct((N_NODES, D), jnp.float32),
    )(agg2, agg2, h, w1t, b1, w2t, b2, wpz, wph, bp)


@jax.jit
def kernel(x, edge_index, edge_weight, W_prep, b_prep, W_e, b_e,
           W1, b1, W2, b2, W_post, b_post):
    h = _prep(x, W_prep.T, b_prep.reshape(1, D))
    e = _edge_lin(edge_weight.T, W_e.T, b_e.reshape(1, D))
    agg2 = _sc_agg(h, edge_index[0], edge_index[1], e)
    return _post(agg2, h,
                 W1.T, b1.reshape(1, D), W2.T, b2.reshape(1, D),
                 W_post[:, :D].T, W_post[:, D:].T, b_post.reshape(1, D))

# --- scband reference (transcript-rebuilt; emitter-appended) ---
"""Pipeline reference for scband-gineencoder-ppw-skip-cat-14697378087542 (READ-ONLY COPY).

The authoritative reference and input builder live on the scoring server;
editing this copy changes nothing except your own understanding.
"""

import jax, jax.numpy as jnp
import numpy as np

N = 10000
E = 320000
D = 128
DE = 16
NEG = 0.01


def setup_inputs(seed: int = 0) -> dict:
    key = jax.random.key(seed)
    ks = jax.random.split(key, 16)
    x = jax.random.normal(ks[0], (N, D), dtype=jnp.float32)
    edge_index = jax.random.randint(ks[1], (2, E), 0, N, dtype=jnp.int32)
    edge_weight = jax.random.normal(ks[2], (E, DE), dtype=jnp.float32)
    s = 0.05
    # prep: Linear(128 -> 128)
    W_prep = jax.random.normal(ks[3], (D, D), dtype=jnp.float32) * s
    b_prep = jax.random.normal(ks[4], (D,), dtype=jnp.float32) * s
    # GINEConv edge lin: Linear(edge_dim=16 -> 128)
    W_e = jax.random.normal(ks[5], (D, DE), dtype=jnp.float32) * s
    b_e = jax.random.normal(ks[6], (D,), dtype=jnp.float32) * s
    # GINEConv mlp: Linear(128->128), LeakyReLU, Linear(128->128), Tanh
    W1 = jax.random.normal(ks[7], (D, D), dtype=jnp.float32) * s
    b1 = jax.random.normal(ks[8], (D,), dtype=jnp.float32) * s
    W2 = jax.random.normal(ks[9], (D, D), dtype=jnp.float32) * s
    b2 = jax.random.normal(ks[10], (D,), dtype=jnp.float32) * s
    # post: Linear(128 + 128 = 256 -> 128), Tanh
    W_post = jax.random.normal(ks[11], (D, 2 * D), dtype=jnp.float32) * s
    b_post = jax.random.normal(ks[12], (D,), dtype=jnp.float32) * s
    return {"x": x, "edge_index": edge_index, "edge_weight": edge_weight,
            "W_prep": W_prep, "b_prep": b_prep, "W_e": W_e, "b_e": b_e,
            "W1": W1, "b1": b1, "W2": W2, "b2": b2,
            "W_post": W_post, "b_post": b_post}


def reference(x, edge_index, edge_weight, W_prep, b_prep, W_e, b_e, W1, b1, W2, b2, W_post, b_post):
    # sequential_prep: Linear + LeakyReLU (single layer -> no Tanh, dropout=0)
    h = jax.nn.leaky_relu(x @ W_prep.T + b_prep, negative_slope=NEG)
    # GINEConv: message = ReLU(x_src + lin(edge_attr)); aggregate = sum over dst
    src = edge_index[0]
    dst = edge_index[1]
    e = edge_weight @ W_e.T + b_e
    m = jax.nn.relu(h[src] + e)
    agg = jax.ops.segment_sum(m, dst, num_segments=h.shape[0])
    z = agg + h  # (1 + eps) * x with eps = 0
    # conv nn: Linear, LeakyReLU, Linear, Tanh
    z = jax.nn.leaky_relu(z @ W1.T + b1, negative_slope=NEG)
    z = jnp.tanh(z @ W2.T + b2)
    # skip-cat
    x2 = jnp.concatenate([z, h], axis=1)
    # sequential_post: Linear(256 -> 128), Tanh
    return jnp.tanh(x2 @ W_post.T + b_post)

if __name__ == "__main__":
    import jax
    _d = setup_inputs()
    print(jax.jit(kernel)(*tuple(_d.values())))

</pallas_src>

<mosaic_0001>
#map = affine_map<(d0, d1) -> (0, 0)>
#map1 = affine_map<(d0, d1) -> (0)>
#map2 = affine_map<(d0, d1) -> (0, 0, 0)>
module attributes {stable_mosaic.version = 14 : i64} {
  func.func @_sc_agg_body(%arg0: i32, %arg1: i32, %arg2: memref<10000x128xf32, #tpu.memory_space<hbm>>, %arg3: memref<320000xi32, #tpu.memory_space<hbm>>, %arg4: memref<320000xi32, #tpu.memory_space<hbm>>, %arg5: memref<320000x64xi32, #tpu.memory_space<hbm>>, %arg6: memref<2x10240x128xf32, #tpu.memory_space<hbm>>, %arg7: memref<80xi32, #tpu.memory_space<vmem>>, %arg8: memref<80xi32, #tpu.memory_space<vmem>>, %arg9: memref<80xi32, #tpu.memory_space<vmem>>, %arg10: memref<80xi32, #tpu.memory_space<vmem>>, %arg11: memref<80x128xf32, #tpu.memory_space<vmem>>, %arg12: memref<80x128xf32, #tpu.memory_space<vmem>>, %arg13: memref<80x64xi32, #tpu.memory_space<vmem>>, %arg14: memref<80x64xi32, #tpu.memory_space<vmem>>, %arg15: memref<10240x128xf32, #tpu.memory_space<vmem_shared>>, %arg16: memref<!tpu.dma_semaphore, #tpu.memory_space<semaphore_mem>>, %arg17: memref<!tpu.dma_semaphore, #tpu.memory_space<semaphore_mem>>, %arg18: memref<!tpu.dma_semaphore, #tpu.memory_space<semaphore_mem>>, %arg19: memref<!tpu.dma_semaphore, #tpu.memory_space<semaphore_mem>>, %arg20: memref<!tpu.dma_semaphore, #tpu.memory_space<semaphore_mem>>, %arg21: memref<!tpu.dma_semaphore, #tpu.memory_space<semaphore_mem>>, %arg22: memref<!tpu.dma_semaphore, #tpu.memory_space<semaphore_mem>>, %arg23: memref<!tpu.dma_semaphore, #tpu.memory_space<semaphore_mem>>, %arg24: memref<!tpu.dma_semaphore, #tpu.memory_space<semaphore_mem>>, %arg25: memref<!tpu.dma_semaphore, #tpu.memory_space<semaphore_mem>>) attributes {dimension_semantics = [#tpu.dimension_semantics<core_parallel>, #tpu.dimension_semantics<subcore_parallel>], iteration_bounds = array<i64: 2, 16>, scalar_prefetch = 0 : i64, scratch_operands = 19 : i64, tpu.core_type = #tpu.core_type<sc_vector_subcore>, window_params = [{transform_indices = #map}, {transform_indices = #map1}, {transform_indices = #map1}, {transform_indices = #map}, {transform_indices = #map2}]} {
    %mul3A = arith.constant 2 : i32
    %mul3A_0 = arith.muli %arg1, %mul3A : i32
    %add3A = arith.addi %mul3A_0, %arg0 : i32
    %mul3A_1 = arith.constant 10000 : i32
    %mul3A_2 = arith.muli %add3A, %mul3A_1 : i32
    %broadcast_in_dim3A = arith.constant 0.000000e+00 : f32
    %broadcast_in_dim3A_3 = vector.broadcast %broadcast_in_dim3A : f32 to vector<16xf32>
    %scan3A = arith.constant 0 : i32
    %scan3A_4 = arith.constant 0 : i32
    %scan3A_5 = arith.constant 80 : i32
    %scan3A_6 = arith.addi %scan3A_4, %scan3A_5 : i32
    %scan3A_7 = arith.constant 1 : i32
    %scan3A_8 = scf.for %scan3A_104 = %scan3A_4 to %scan3A_6 step %scan3A_7 iter_args(%scan3A_105 = %scan3A) -> (i32)  : i32 {
      %swap3A = arith.index_cast %scan3A_104 : i32 to index
      %swap3A_106 = arith.constant 0 : index
      %swap3A_107 = tpu.vector_load %arg11[%swap3A, %swap3A_106] {strides = array<i32>} : memref<80x128xf32, #tpu.memory_space<vmem>>, vector<1x16xf32>,
      %swap3A_108 = vector.shape_cast %swap3A_107 : vector<1x16xf32> to vector<16xf32>
      %swap3A_109 = vector.shape_cast %broadcast_in_dim3A_3 : vector<16xf32> to vector<1x16xf32>
      tpu.vector_store %arg11[%swap3A, %swap3A_106], %swap3A_109 {strides = array<i32>} : memref<80x128xf32, #tpu.memory_space<vmem>>, vector<1x16xf32>,
      %swap3A_110 = arith.index_cast %scan3A_104 : i32 to index
      %swap3A_111 = arith.constant 16 : index
      %swap3A_112 = tpu.vector_load %arg11[%swap3A_110, %swap3A_111] {strides = array<i32>} : memref<80x128xf32, #tpu.memory_space<vmem>>, vector<1x16xf32>,
      %swap3A_113 = vector.shape_cast %swap3A_112 : vector<1x16xf32> to vector<16xf32>
      %swap3A_114 = vector.shape_cast %broadcast_in_dim3A_3 : vector<16xf32> to vector<1x16xf32>
      tpu.vector_store %arg11[%swap3A_110, %swap3A_111], %swap3A_114 {strides = array<i32>} : memref<80x128xf32, #tpu.memory_space<vmem>>, vector<1x16xf32>,
      %swap3A_115 = arith.index_cast %scan3A_104 : i32 to index
      %swap3A_116 = arith.constant 32 : index
      %swap3A_117 = tpu.vector_load %arg11[%swap3A_115, %swap3A_116] {strides = array<i32>} : memref<80x128xf32, #tpu.memory_space<vmem>>, vector<1x16xf32>,
      %swap3A_118 = vector.shape_cast %swap3A_117 : vector<1x16xf32> to vector<16xf32>
      %swap3A_119 = vector.shape_cast %broadcast_in_dim3A_3 : vector<16xf32> to vector<1x16xf32>
      tpu.vector_store %arg11[%swap3A_115, %swap3A_116], %swap3A_119 {strides = array<i32>} : memref<80x128xf32, #tpu.memory_space<vmem>>, vector<1x16xf32>,
      %swap3A_120 = arith.index_cast %scan3A_104 : i32 to index
      %swap3A_121 = arith.constant 48 : index
      %swap3A_122 = tpu.vector_load %arg11[%swap3A_120, %swap3A_121] {strides = array<i32>} : memref<80x128xf32, #tpu.memory_space<vmem>>, vector<1x16xf32>,
      %swap3A_123 = vector.shape_cast %swap3A_122 : vector<1x16xf32> to vector<16xf32>
      %swap3A_124 = vector.shape_cast %broadcast_in_dim3A_3 : vector<16xf32> to vector<1x16xf32>
      tpu.vector_store %arg11[%swap3A_120, %swap3A_121], %swap3A_124 {strides = array<i32>} : memref<80x128xf32, #tpu.memory_space<vmem>>, vector<1x16xf32>,
      %swap3A_125 = arith.index_cast %scan3A_104 : i32 to index
      %swap3A_126 = arith.constant 64 : index
      %swap3A_127 = tpu.vector_load %arg11[%swap3A_125, %swap3A_126] {strides = array<i32>} : memref<80x128xf32, #tpu.memory_space<vmem>>, vector<1x16xf32>,
      %swap3A_128 = vector.shape_cast %swap3A_127 : vector<1x16xf32> to vector<16xf32>
      %swap3A_129 = vector.shape_cast %broadcast_in_dim3A_3 : vector<16xf32> to vector<1x16xf32>
      tpu.vector_store %arg11[%swap3A_125, %swap3A_126], %swap3A_129 {strides = array<i32>} : memref<80x128xf32, #tpu.memory_space<vmem>>, vector<1x16xf32>,
      %swap3A_130 = arith.index_cast %scan3A_104 : i32 to index
      %swap3A_131 = arith.constant 80 : index
      %swap3A_132 = tpu.vector_load %arg11[%swap3A_130, %swap3A_131] {strides = array<i32>} : memref<80x128xf32, #tpu.memory_space<vmem>>, vector<1x16xf32>,
      %swap3A_133 = vector.shape_cast %swap3A_132 : vector<1x16xf32> to vector<16xf32>
      %swap3A_134 = vector.shape_cast %broadcast_in_dim3A_3 : vector<16xf32> to vector<1x16xf32>
      tpu.vector_store %arg11[%swap3A_130, %swap3A_131], %swap3A_134 {strides = array<i32>} : memref<80x128xf32, #tpu.memory_space<vmem>>, vector<1x16xf32>,
      %swap3A_135 = arith.index_cast %scan3A_104 : i32 to index
      %swap3A_136 = arith.constant 96 : index
      %swap3A_137 = tpu.vector_load %arg11[%swap3A_135, %swap3A_136] {strides = array<i32>} : memref<80x128xf32, #tpu.memory_space<vmem>>, vector<1x16xf32>,
      %swap3A_138 = vector.shape_cast %swap3A_137 : vector<1x16xf32> to vector<16xf32>
      %swap3A_139 = vector.shape_cast %broadcast_in_dim3A_3 : vector<16xf32> to vector<1x16xf32>
      tpu.vector_store %arg11[%swap3A_135, %swap3A_136], %swap3A_139 {strides = array<i32>} : memref<80x128xf32, #tpu.memory_space<vmem>>, vector<1x16xf32>,
      %swap3A_140 = arith.index_cast %scan3A_104 : i32 to index
      %swap3A_141 = arith.constant 112 : index
      %swap3A_142 = tpu.vector_load %arg11[%swap3A_140, %swap3A_141] {strides = array<i32>} : memref<80x128xf32, #tpu.memory_space<vmem>>, vector<1x16xf32>,
      %swap3A_143 = vector.shape_cast %swap3A_142 : vector<1x16xf32> to vector<16xf32>
      %swap3A_144 = vector.shape_cast %broadcast_in_dim3A_3 : vector<16xf32> to vector<1x16xf32>
      tpu.vector_store %arg11[%swap3A_140, %swap3A_141], %swap3A_144 {strides = array<i32>} : memref<80x128xf32, #tpu.memory_space<vmem>>, vector<1x16xf32>,
      %scan3A_145 = arith.constant 0 : i32
      scf.yield %scan3A_145 : i32
    }
    %scan3A_9 = arith.constant 80 : i32
    %mul3A_10 = arith.constant 640 : i32
    %mul3A_11 = arith.muli %arg1, %mul3A_10 : i32
    %add3A_12 = arith.constant 0 : i32
    %add3A_13 = arith.addi %mul3A_11, %add3A_12 : i32
    "tpu.region"() ({
      %run_scoped3A = tpu.sem_alloc : memref<!tpu.dma_semaphore, #tpu.memory_space<semaphore_mem>>
      %dma_start3A_104 = arith.constant 0 : i32
      %dma_start3A_105 = tpu.memref_slice %arg15[%add3A_13, %dma_start3A_104] : memref<10240x128xf32, #tpu.memory_space<vmem_shared>> -> memref<80x128xf32, #tpu.memory_space<vmem_shared>>
      %dma_start3A_106 = arith.constant 0 : i32
      %dma_start3A_107 = tpu.memref_slice %arg15[%add3A_13, %dma_start3A_106] : memref<10240x128xf32, #tpu.memory_space<vmem_shared>> -> memref<80x128xf32, #tpu.memory_space<vmem_shared>>
      tpu.enqueue_dma source(%arg11 : memref<80x128xf32, #tpu.memory_space<vmem>>) target(%dma_start3A_107 : memref<80x128xf32, #tpu.memory_space<vmem_shared>>) target_semaphore(%run_scoped3A : memref<!tpu.dma_semaphore, #tpu.memory_space<semaphore_mem>>)
      %dma_wait3A_108 = arith.constant 0 : i32
      %dma_wait3A_109 = tpu.memref_slice %arg15[%add3A_13, %dma_wait3A_108] : memref<10240x128xf32, #tpu.memory_space<vmem_shared>> -> memref<80x128xf32, #tpu.memory_space<vmem_shared>>
      %dma_wait3A_110 = arith.constant 0 : i32
      %dma_wait3A_111 = tpu.memref_slice %arg15[%add3A_13, %dma_wait3A_110] : memref<10240x128xf32, #tpu.memory_space<vmem_shared>> -> memref<80x128xf32, #tpu.memory_space<vmem_shared>>
      tpu.wait_dma2 semaphore(%run_scoped3A : memref<!tpu.dma_semaphore, #tpu.memory_space<semaphore_mem>>) src(%arg11 : memref<80x128xf32, #tpu.memory_space<vmem>>) dst(%dma_wait3A_111 : memref<80x128xf32, #tpu.memory_space<vmem_shared>>)
      tpu.yield
    }) : () -> ()
    %add3A_14 = arith.constant 80 : i32
    %add3A_15 = arith.addi %mul3A_11, %add3A_14 : i32
    "tpu.region"() ({
      %run_scoped3A = tpu.sem_alloc : memref<!tpu.dma_semaphore, #tpu.memory_space<semaphore_mem>>
      %dma_start3A_104 = arith.constant 0 : i32
      %dma_start3A_105 = tpu.memref_slice %arg15[%add3A_15, %dma_start3A_104] : memref<10240x128xf32, #tpu.memory_space<vmem_shared>> -> memref<80x128xf32, #tpu.memory_space<vmem_shared>>
      %dma_start3A_106 = arith.constant 0 : i32
      %dma_start3A_107 = tpu.memref_slice %arg15[%add3A_15, %dma_start3A_106] : memref<10240x128xf32, #tpu.memory_space<vmem_shared>> -> memref<80x128xf32, #tpu.memory_space<vmem_shared>>
      tpu.enqueue_dma source(%arg11 : memref<80x128xf32, #tpu.memory_space<vmem>>) target(%dma_start3A_107 : memref<80x128xf32, #tpu.memory_space<vmem_shared>>) target_semaphore(%run_scoped3A : memref<!tpu.dma_semaphore, #tpu.memory_space<semaphore_mem>>)
      %dma_wait3A_108 = arith.constant 0 : i32
      %dma_wait3A_109 = tpu.memref_slice %arg15[%add3A_15, %dma_wait3A_108] : memref<10240x128xf32, #tpu.memory_space<vmem_shared>> -> memref<80x128xf32, #tpu.memory_space<vmem_shared>>
      %dma_wait3A_110 = arith.constant 0 : i32
      %dma_wait3A_111 = tpu.memref_slice %arg15[%add3A_15, %dma_wait3A_110] : memref<10240x128xf32, #tpu.memory_space<vmem_shared>> -> memref<80x128xf32, #tpu.memory_space<vmem_shared>>
      tpu.wait_dma2 semaphore(%run_scoped3A : memref<!tpu.dma_semaphore, #tpu.memory_space<semaphore_mem>>) src(%arg11 : memref<80x128xf32, #tpu.memory_space<vmem>>) dst(%dma_wait3A_111 : memref<80x128xf32, #tpu.memory_space<vmem_shared>>)
      tpu.yield
    }) : () -> ()
    %add3A_16 = arith.constant 160 : i32
    %add3A_17 = arith.addi %mul3A_11, %add3A_16 : i32
    "tpu.region"() ({
      %run_scoped3A = tpu.sem_alloc : memref<!tpu.dma_semaphore, #tpu.memory_space<semaphore_mem>>
      %dma_start3A_104 = arith.constant 0 : i32
      %dma_start3A_105 = tpu.memref_slice %arg15[%add3A_17, %dma_start3A_104] : memref<10240x128xf32, #tpu.memory_space<vmem_shared>> -> memref<80x128xf32, #tpu.memory_space<vmem_shared>>
      %dma_start3A_106 = arith.constant 0 : i32
      %dma_start3A_107 = tpu.memref_slice %arg15[%add3A_17, %dma_start3A_106] : memref<10240x128xf32, #tpu.memory_space<vmem_shared>> -> memref<80x128xf32, #tpu.memory_space<vmem_shared>>
      tpu.enqueue_dma source(%arg11 : memref<80x128xf32, #tpu.memory_space<vmem>>) target(%dma_start3A_107 : memref<80x128xf32, #tpu.memory_space<vmem_shared>>) target_semaphore(%run_scoped3A : memref<!tpu.dma_semaphore, #tpu.memory_space<semaphore_mem>>)
      %dma_wait3A_108 = arith.constant 0 : i32
      %dma_wait3A_109 = tpu.memref_slice %arg15[%add3A_17, %dma_wait3A_108] : memref<10240x128xf32, #tpu.memory_space<vmem_shared>> -> memref<80x128xf32, #tpu.memory_space<vmem_shared>>
      %dma_wait3A_110 = arith.constant 0 : i32
      %dma_wait3A_111 = tpu.memref_slice %arg15[%add3A_17, %dma_wait3A_110] : memref<10240x128xf32, #tpu.memory_space<vmem_shared>> -> memref<80x128xf32, #tpu.memory_space<vmem_shared>>
      tpu.wait_dma2 semaphore(%run_scoped3A : memref<!tpu.dma_semaphore, #tpu.memory_space<semaphore_mem>>) src(%arg11 : memref<80x128xf32, #tpu.memory_space<vmem>>) dst(%dma_wait3A_111 : memref<80x128xf32, #tpu.memory_space<vmem_shared>>)
      tpu.yield
    }) : () -> ()
    %add3A_18 = arith.constant 240 : i32
    %add3A_19 = arith.addi %mul3A_11, %add3A_18 : i32
    "tpu.region"() ({
      %run_scoped3A = tpu.sem_alloc : memref<!tpu.dma_semaphore, #tpu.memory_space<semaphore_mem>>
      %dma_start3A_104 = arith.constant 0 : i32
      %dma_start3A_105 = tpu.memref_slice %arg15[%add3A_19, %dma_start3A_104] : memref<10240x128xf32, #tpu.memory_space<vmem_shared>> -> memref<80x128xf32, #tpu.memory_space<vmem_shared>>
      %dma_start3A_106 = arith.constant 0 : i32
      %dma_start3A_107 = tpu.memref_slice %arg15[%add3A_19, %dma_start3A_106] : memref<10240x128xf32, #tpu.memory_space<vmem_shared>> -> memref<80x128xf32, #tpu.memory_space<vmem_shared>>
      tpu.enqueue_dma source(%arg11 : memref<80x128xf32, #tpu.memory_space<vmem>>) target(%dma_start3A_107 : memref<80x128xf32, #tpu.memory_space<vmem_shared>>) target_semaphore(%run_scoped3A : memref<!tpu.dma_semaphore, #tpu.memory_space<semaphore_mem>>)
      %dma_wait3A_108 = arith.constant 0 : i32
      %dma_wait3A_109 = tpu.memref_slice %arg15[%add3A_19, %dma_wait3A_108] : memref<10240x128xf32, #tpu.memory_space<vmem_shared>> -> memref<80x128xf32, #tpu.memory_space<vmem_shared>>
      %dma_wait3A_110 = arith.constant 0 : i32
      %dma_wait3A_111 = tpu.memref_slice %arg15[%add3A_19, %dma_wait3A_110] : memref<10240x128xf32, #tpu.memory_space<vmem_shared>> -> memref<80x128xf32, #tpu.memory_space<vmem_shared>>
      tpu.wait_dma2 semaphore(%run_scoped3A : memref<!tpu.dma_semaphore, #tpu.memory_space<semaphore_mem>>) src(%arg11 : memref<80x128xf32, #tpu.memory_space<vmem>>) dst(%dma_wait3A_111 : memref<80x128xf32, #tpu.memory_space<vmem_shared>>)
      tpu.yield
    }) : () -> ()
    %add3A_20 = arith.constant 320 : i32
    %add3A_21 = arith.addi %mul3A_11, %add3A_20 : i32
    "tpu.region"() ({
      %run_scoped3A = tpu.sem_alloc : memref<!tpu.dma_semaphore, #tpu.memory_space<semaphore_mem>>
      %dma_start3A_104 = arith.constant 0 : i32
      %dma_start3A_105 = tpu.memref_slice %arg15[%add3A_21, %dma_start3A_104] : memref<10240x128xf32, #tpu.memory_space<vmem_shared>> -> memref<80x128xf32, #tpu.memory_space<vmem_shared>>
      %dma_start3A_106 = arith.constant 0 : i32
      %dma_start3A_107 = tpu.memref_slice %arg15[%add3A_21, %dma_start3A_106] : memref<10240x128xf32, #tpu.memory_space<vmem_shared>> -> memref<80x128xf32, #tpu.memory_space<vmem_shared>>
      tpu.enqueue_dma source(%arg11 : memref<80x128xf32, #tpu.memory_space<vmem>>) target(%dma_start3A_107 : memref<80x128xf32, #tpu.memory_space<vmem_shared>>) target_semaphore(%run_scoped3A : memref<!tpu.dma_semaphore, #tpu.memory_space<semaphore_mem>>)
      %dma_wait3A_108 = arith.constant 0 : i32
      %dma_wait3A_109 = tpu.memref_slice %arg15[%add3A_21, %dma_wait3A_108] : memref<10240x128xf32, #tpu.memory_space<vmem_shared>> -> memref<80x128xf32, #tpu.memory_space<vmem_shared>>
      %dma_wait3A_110 = arith.constant 0 : i32
      %dma_wait3A_111 = tpu.memref_slice %arg15[%add3A_21, %dma_wait3A_110] : memref<10240x128xf32, #tpu.memory_space<vmem_shared>> -> memref<80x128xf32, #tpu.memory_space<vmem_shared>>
      tpu.wait_dma2 semaphore(%run_scoped3A : memref<!tpu.dma_semaphore, #tpu.memory_space<semaphore_mem>>) src(%arg11 : memref<80x128xf32, #tpu.memory_space<vmem>>) dst(%dma_wait3A_111 : memref<80x128xf32, #tpu.memory_space<vmem_shared>>)
      tpu.yield
    }) : () -> ()
    %add3A_22 = arith.constant 400 : i32
    %add3A_23 = arith.addi %mul3A_11, %add3A_22 : i32
    "tpu.region"() ({
      %run_scoped3A = tpu.sem_alloc : memref<!tpu.dma_semaphore, #tpu.memory_space<semaphore_mem>>
      %dma_start3A_104 = arith.constant 0 : i32
      %dma_start3A_105 = tpu.memref_slice %arg15[%add3A_23, %dma_start3A_104] : memref<10240x128xf32, #tpu.memory_space<vmem_shared>> -> memref<80x128xf32, #tpu.memory_space<vmem_shared>>
      %dma_start3A_106 = arith.constant 0 : i32
      %dma_start3A_107 = tpu.memref_slice %arg15[%add3A_23, %dma_start3A_106] : memref<10240x128xf32, #tpu.memory_space<vmem_shared>> -> memref<80x128xf32, #tpu.memory_space<vmem_shared>>
      tpu.enqueue_dma source(%arg11 : memref<80x128xf32, #tpu.memory_space<vmem>>) target(%dma_start3A_107 : memref<80x128xf32, #tpu.memory_space<vmem_shared>>) target_semaphore(%run_scoped3A : memref<!tpu.dma_semaphore, #tpu.memory_space<semaphore_mem>>)
      %dma_wait3A_108 = arith.constant 0 : i32
      %dma_wait3A_109 = tpu.memref_slice %arg15[%add3A_23, %dma_wait3A_108] : memref<10240x128xf32, #tpu.memory_space<vmem_shared>> -> memref<80x128xf32, #tpu.memory_space<vmem_shared>>
      %dma_wait3A_110 = arith.constant 0 : i32
      %dma_wait3A_111 = tpu.memref_slice %arg15[%add3A_23, %dma_wait3A_110] : memref<10240x128xf32, #tpu.memory_space<vmem_shared>> -> memref<80x128xf32, #tpu.memory_space<vmem_shared>>
      tpu.wait_dma2 semaphore(%run_scoped3A : memref<!tpu.dma_semaphore, #tpu.memory_space<semaphore_mem>>) src(%arg11 : memref<80x128xf32, #tpu.memory_space<vmem>>) dst(%dma_wait3A_111 : memref<80x128xf32, #tpu.memory_space<vmem_shared>>)
      tpu.yield
    }) : () -> ()
    %add3A_24 = arith.constant 480 : i32
    %add3A_25 = arith.addi %mul3A_11, %add3A_24 : i32
    "tpu.region"() ({
      %run_scoped3A = tpu.sem_alloc : memref<!tpu.dma_semaphore, #tpu.memory_space<semaphore_mem>>
      %dma_start3A_104 = arith.constant 0 : i32
      %dma_start3A_105 = tpu.memref_slice %arg15[%add3A_25, %dma_start3A_104] : memref<10240x128xf32, #tpu.memory_space<vmem_shared>> -> memref<80x128xf32, #tpu.memory_space<vmem_shared>>
      %dma_start3A_106 = arith.constant 0 : i32
      %dma_start3A_107 = tpu.memref_slice %arg15[%add3A_25, %dma_start3A_106] : memref<10240x128xf32, #tpu.memory_space<vmem_shared>> -> memref<80x128xf32, #tpu.memory_space<vmem_shared>>
      tpu.enqueue_dma source(%arg11 : memref<80x128xf32, #tpu.memory_space<vmem>>) target(%dma_start3A_107 : memref<80x128xf32, #tpu.memory_space<vmem_shared>>) target_semaphore(%run_scoped3A : memref<!tpu.dma_semaphore, #tpu.memory_space<semaphore_mem>>)
      %dma_wait3A_108 = arith.constant 0 : i32
      %dma_wait3A_109 = tpu.memref_slice %arg15[%add3A_25, %dma_wait3A_108] : memref<10240x128xf32, #tpu.memory_space<vmem_shared>> -> memref<80x128xf32, #tpu.memory_space<vmem_shared>>
      %dma_wait3A_110 = arith.constant 0 : i32
      %dma_wait3A_111 = tpu.memref_slice %arg15[%add3A_25, %dma_wait3A_110] : memref<10240x128xf32, #tpu.memory_space<vmem_shared>> -> memref<80x128xf32, #tpu.memory_space<vmem_shared>>
      tpu.wait_dma2 semaphore(%run_scoped3A : memref<!tpu.dma_semaphore, #tpu.memory_space<semaphore_mem>>) src(%arg11 : memref<80x128xf32, #tpu.memory_space<vmem>>) dst(%dma_wait3A_111 : memref<80x128xf32, #tpu.memory_space<vmem_shared>>)
      tpu.yield
    }) : () -> ()
    %add3A_26 = arith.constant 560 : i32
    %add3A_27 = arith.addi %mul3A_11, %add3A_26 : i32
    "tpu.region"() ({
      %run_scoped3A = tpu.sem_alloc : memref<!tpu.dma_semaphore, #tpu.memory_space<semaphore_mem>>
      %dma_start3A_104 = arith.constant 0 : i32
      %dma_start3A_105 = tpu.memref_slice %arg15[%add3A_27, %dma_start3A_104] : memref<10240x128xf32, #tpu.memory_space<vmem_shared>> -> memref<80x128xf32, #tpu.memory_space<vmem_shared>>
      %dma_start3A_106 = arith.constant 0 : i32
      %dma_start3A_107 = tpu.memref_slice %arg15[%add3A_27, %dma_start3A_106] : memref<10240x128xf32, #tpu.memory_space<vmem_shared>> -> memref<80x128xf32, #tpu.memory_space<vmem_shared>>
      tpu.enqueue_dma source(%arg11 : memref<80x128xf32, #tpu.memory_space<vmem>>) target(%dma_start3A_107 : memref<80x128xf32, #tpu.memory_space<vmem_shared>>) target_semaphore(%run_scoped3A : memref<!tpu.dma_semaphore, #tpu.memory_space<semaphore_mem>>)
      %dma_wait3A_108 = arith.constant 0 : i32
      %dma_wait3A_109 = tpu.memref_slice %arg15[%add3A_27, %dma_wait3A_108] : memref<10240x128xf32, #tpu.memory_space<vmem_shared>> -> memref<80x128xf32, #tpu.memory_space<vmem_shared>>
      %dma_wait3A_110 = arith.constant 0 : i32
      %dma_wait3A_111 = tpu.memref_slice %arg15[%add3A_27, %dma_wait3A_110] : memref<10240x128xf32, #tpu.memory_space<vmem_shared>> -> memref<80x128xf32, #tpu.memory_space<vmem_shared>>
      tpu.wait_dma2 semaphore(%run_scoped3A : memref<!tpu.dma_semaphore, #tpu.memory_space<semaphore_mem>>) src(%arg11 : memref<80x128xf32, #tpu.memory_space<vmem>>) dst(%dma_wait3A_111 : memref<80x128xf32, #tpu.memory_space<vmem_shared>>)
      tpu.yield
    }) : () -> ()
    %barrier3A = arith.constant 0 : index
    tpu.barrier barrier_id(%barrier3A)
    %add3A_28 = arith.constant 0 : i32
    %add3A_29 = arith.addi %mul3A_2, %add3A_28 : i32
    %dma_start3A = tpu.memref_slice %arg3[%add3A_29] : memref<320000xi32, #tpu.memory_space<hbm>> -> memref<80xi32, #tpu.memory_space<hbm>>
    %dma_start3A_30 = tpu.memref_slice %arg3[%add3A_29] : memref<320000xi32, #tpu.memory_space<hbm>> -> memref<80xi32, #tpu.memory_space<hbm>>
    tpu.enqueue_dma source(%dma_start3A_30 : memref<80xi32, #tpu.memory_space<hbm>>) target(%arg7 : memref<80xi32, #tpu.memory_space<vmem>>) target_semaphore(%arg16 : memref<!tpu.dma_semaphore, #tpu.memory_space<semaphore_mem>>)
    %add3A_31 = arith.constant 0 : i32
    %add3A_32 = arith.addi %mul3A_2, %add3A_31 : i32
    %dma_start3A_33 = tpu.memref_slice %arg4[%add3A_32] : memref<320000xi32, #tpu.memory_space<hbm>> -> memref<80xi32, #tpu.memory_space<hbm>>
    %dma_start3A_34 = tpu.memref_slice %arg4[%add3A_32] : memref<320000xi32, #tpu.memory_space<hbm>> -> memref<80xi32, #tpu.memory_space<hbm>>
    tpu.enqueue_dma source(%dma_start3A_34 : memref<80xi32, #tpu.memory_space<hbm>>) target(%arg9 : memref<80xi32, #tpu.memory_space<vmem>>) target_semaphore(%arg18 : memref<!tpu.dma_semaphore, #tpu.memory_space<semaphore_mem>>)
    %add3A_35 = arith.constant 80 : i32
    %add3A_36 = arith.addi %mul3A_2, %add3A_35 : i32
    %dma_start3A_37 = tpu.memref_slice %arg3[%add3A_36] : memref<320000xi32, #tpu.memory_space<hbm>> -> memref<80xi32, #tpu.memory_space<hbm>>
    %dma_start3A_38 = tpu.memref_slice %arg3[%add3A_36] : memref<320000xi32, #tpu.memory_space<hbm>> -> memref<80xi32, #tpu.memory_space<hbm>>
    tpu.enqueue_dma source(%dma_start3A_38 : memref<80xi32, #tpu.memory_space<hbm>>) target(%arg8 : memref<80xi32, #tpu.memory_space<vmem>>) target_semaphore(%arg17 : memref<!tpu.dma_semaphore, #tpu.memory_space<semaphore_mem>>)
    %add3A_39 = arith.constant 80 : i32
    %add3A_40 = arith.addi %mul3A_2, %add3A_39 : i32
    %dma_start3A_41 = tpu.memref_slice %arg4[%add3A_40] : memref<320000xi32, #tpu.memory_space<hbm>> -> memref<80xi32, #tpu.memory_space<hbm>>
    %dma_start3A_42 = tpu.memref_slice %arg4[%add3A_40] : memref<320000xi32, #tpu.memory_space<hbm>> -> memref<80xi32, #tpu.memory_space<hbm>>
    tpu.enqueue_dma source(%dma_start3A_42 : memref<80xi32, #tpu.memory_space<hbm>>) target(%arg10 : memref<80xi32, #tpu.memory_space<vmem>>) target_semaphore(%arg19 : memref<!tpu.dma_semaphore, #tpu.memory_space<semaphore_mem>>)
    %dma_wait3A = arith.constant 0 : i32
    %dma_wait3A_43 = tpu.memref_slice %arg3[%dma_wait3A] : memref<320000xi32, #tpu.memory_space<hbm>> -> memref<80xi32, #tpu.memory_space<hbm>>
    %dma_wait3A_44 = arith.constant 0 : i32
    %dma_wait3A_45 = tpu.memref_slice %arg3[%dma_wait3A_44] : memref<320000xi32, #tpu.memory_space<hbm>> -> memref<80xi32, #tpu.memory_space<hbm>>
    tpu.wait_dma2 semaphore(%arg16 : memref<!tpu.dma_semaphore, #tpu.memory_space<semaphore_mem>>) src(%dma_wait3A_45 : memref<80xi32, #tpu.memory_space<hbm>>) dst(%arg7 : memref<80xi32, #tpu.memory_space<vmem>>)
    %dma_start3A_46 = arith.constant 0 : i32
    %dma_start3A_47 = arith.constant 0 : i32
    %dma_start3A_48 = tpu.memref_slice %arg2[%dma_start3A_46, %dma_start3A_47] : memref<10000x128xf32, #tpu.memory_space<hbm>> -> memref<10000x128xf32, #tpu.memory_space<hbm>>
    tpu.enqueue_indirect_dma source(%dma_start3A_48 : memref<10000x128xf32, #tpu.memory_space<hbm>>) target(%arg11 : memref<80x128xf32, #tpu.memory_space<vmem>>) offsets(%arg7 : memref<80xi32, #tpu.memory_space<vmem>>) semaphore(%arg20 : memref<!tpu.dma_semaphore, #tpu.memory_space<semaphore_mem>>)
    %add3A_49 = arith.constant 0 : i32
    %add3A_50 = arith.addi %mul3A_2, %add3A_49 : i32
    %dma_start3A_51 = arith.constant 0 : i32
    %dma_start3A_52 = tpu.memref_slice %arg5[%add3A_50, %dma_start3A_51] : memref<320000x64xi32, #tpu.memory_space<hbm>> -> memref<80x64xi32, #tpu.memory_space<hbm>>
    %dma_start3A_53 = arith.constant 0 : i32
    %dma_start3A_54 = tpu.memref_slice %arg5[%add3A_50, %dma_start3A_53] : memref<320000x64xi32, #tpu.memory_space<hbm>> -> memref<80x64xi32, #tpu.memory_space<hbm>>
    tpu.enqueue_dma source(%dma_start3A_54 : memref<80x64xi32, #tpu.memory_space<hbm>>) target(%arg13 : memref<80x64xi32, #tpu.memory_space<vmem>>) target_semaphore(%arg22 : memref<!tpu.dma_semaphore, #tpu.memory_space<semaphore_mem>>)
    %scan3A_55 = arith.constant 16 : i32
    %scan3A_56 = arith.constant -65536 : i32
    %scan3A_57 = arith.constant 0 : i32
    %scan3A_58 = arith.constant 0 : i32
    %scan3A_59 = arith.constant 62 : i32
    %scan3A_60 = arith.addi %scan3A_58, %scan3A_59 : i32
    %scan3A_61 = arith.constant 1 : i32
    %scan3A_62 = scf.for %scan3A_104 = %scan3A_58 to %scan3A_60 step %scan3A_61 iter_args(%scan3A_105 = %scan3A_57) -> (i32)  : i32 {
      %mul3A_106 = arith.constant 2 : i32
      %mul3A_107 = arith.muli %mul3A_106, %scan3A_104 : i32
      %add3A_108 = arith.constant 0 : i32
      %add3A_109 = arith.addi %mul3A_107, %add3A_108 : i32
      %add3A_110 = arith.constant 2 : i32
      %add3A_111 = arith.addi %add3A_109, %add3A_110 : i32
      %min3A = arith.constant 124 : i32
      %min3A_112 = arith.minsi %add3A_111, %min3A : i32
      %dma_wait3A_113 = arith.constant 0 : i32
      %dma_wait3A_114 = tpu.memref_slice %arg3[%dma_wait3A_113] : memref<320000xi32, #tpu.memory_space<hbm>> -> memref<80xi32, #tpu.memory_space<hbm>>
      %dma_wait3A_115 = arith.constant 0 : i32
      %dma_wait3A_116 = tpu.memref_slice %arg3[%dma_wait3A_115] : memref<320000xi32, #tpu.memory_space<hbm>> -> memref<80xi32, #tpu.memory_space<hbm>>
      tpu.wait_dma2 semaphore(%arg17 : memref<!tpu.dma_semaphore, #tpu.memory_space<semaphore_mem>>) src(%dma_wait3A_116 : memref<80xi32, #tpu.memory_space<hbm>>) dst(%arg8 : memref<80xi32, #tpu.memory_space<vmem>>)
      %gt3A = arith.constant 0 : i32
      %gt3A_117 = arith.cmpi sgt, %scan3A_104, %gt3A : i32
      %convert_element_type3A = arith.extui %gt3A_117 : i1 to i32
      %cond3A = arith.constant 0 : i32
      %cond3A_118 = arith.cmpi ne, %convert_element_type3A, %cond3A : i32
      scf.if %cond3A_118 {
        %dma_wait3A_225 = arith.constant 0 : i32
        %dma_wait3A_226 = arith.constant 0 : i32
        %dma_wait3A_227 = tpu.memref_slice %arg15[%dma_wait3A_225, %dma_wait3A_226] : memref<10240x128xf32, #tpu.memory_space<vmem_shared>> -> memref<10240x128xf32, #tpu.memory_space<vmem_shared>>
        tpu.wait_indirect_dma semaphore(%arg25 : memref<!tpu.dma_semaphore, #tpu.memory_space<semaphore_mem>>) src(%arg12 : memref<80x128xf32, #tpu.memory_space<vmem>>) dst(%dma_wait3A_227 : memref<10240x128xf32, #tpu.memory_space<vmem_shared>>)
      } else {
      }
      %add3A_119 = arith.constant 1 : i32
      %add3A_120 = arith.addi %add3A_109, %add3A_119 : i32
      %dma_start3A_121 = arith.constant 0 : i32
      %dma_start3A_122 = arith.constant 0 : i32
      %dma_start3A_123 = tpu.memref_slice %arg2[%dma_start3A_121, %dma_start3A_122] : memref<10000x128xf32, #tpu.memory_space<hbm>> -> memref<10000x128xf32, #tpu.memory_space<hbm>>
      tpu.enqueue_indirect_dma source(%dma_start3A_123 : memref<10000x128xf32, #tpu.memory_space<hbm>>) target(%arg12 : memref<80x128xf32, #tpu.memory_space<vmem>>) offsets(%arg8 : memref<80xi32, #tpu.memory_space<vmem>>) semaphore(%arg21 : memref<!tpu.dma_semaphore, #tpu.memory_space<semaphore_mem>>)
      %mul3A_124 = arith.constant 80 : i32
      %mul3A_125 = arith.muli %add3A_120, %mul3A_124 : i32
      %add3A_126 = arith.addi %mul3A_2, %mul3A_125 : i32
      %dma_start3A_127 = arith.constant 0 : i32
      %dma_start3A_128 = tpu.memref_slice %arg5[%add3A_126, %dma_start3A_127] : memref<320000x64xi32, #tpu.memory_space<hbm>> -> memref<80x64xi32, #tpu.memory_space<hbm>>
      %dma_start3A_129 = arith.constant 0 : i32
      %dma_start3A_130 = tpu.memref_slice %arg5[%add3A_126, %dma_start3A_129] : memref<320000x64xi32, #tpu.memory_space<hbm>> -> memref<80x64xi32, #tpu.memory_space<hbm>>
      tpu.enqueue_dma source(%dma_start3A_130 : memref<80x64xi32, #tpu.memory_space<hbm>>) target(%arg14 : memref<80x64xi32, #tpu.memory_space<vmem>>) target_semaphore(%arg23 : memref<!tpu.dma_semaphore, #tpu.memory_space<semaphore_mem>>)
      %dma_wait3A_131 = arith.constant 0 : i32
      %dma_wait3A_132 = arith.constant 0 : i32
      %dma_wait3A_133 = tpu.memref_slice %arg2[%dma_wait3A_131, %dma_wait3A_132] : memref<10000x128xf32, #tpu.memory_space<hbm>> -> memref<10000x128xf32, #tpu.memory_space<hbm>>
      tpu.wait_indirect_dma semaphore(%arg20 : memref<!tpu.dma_semaphore, #tpu.memory_space<semaphore_mem>>) src(%dma_wait3A_133 : memref<10000x128xf32, #tpu.memory_space<hbm>>) dst(%arg11 : memref<80x128xf32, #tpu.memory_space<vmem>>)
      %dma_wait3A_134 = arith.constant 0 : i32
      %dma_wait3A_135 = arith.constant 0 : i32
      %dma_wait3A_136 = tpu.memref_slice %arg5[%dma_wait3A_134, %dma_wait3A_135] : memref<320000x64xi32, #tpu.memory_space<hbm>> -> memref<80x64xi32, #tpu.memory_space<hbm>>
      %dma_wait3A_137 = arith.constant 0 : i32
      %dma_wait3A_138 = arith.constant 0 : i32
      %dma_wait3A_139 = tpu.memref_slice %arg5[%dma_wait3A_137, %dma_wait3A_138] : memref<320000x64xi32, #tpu.memory_space<hbm>> -> memref<80x64xi32, #tpu.memory_space<hbm>>
      tpu.wait_dma2 semaphore(%arg22 : memref<!tpu.dma_semaphore, #tpu.memory_space<semaphore_mem>>) src(%dma_wait3A_139 : memref<80x64xi32, #tpu.memory_space<hbm>>) dst(%arg13 : memref<80x64xi32, #tpu.memory_space<vmem>>)
      %mul3A_140 = arith.constant 80 : i32
      %mul3A_141 = arith.muli %min3A_112, %mul3A_140 : i32
      %add3A_142 = arith.addi %mul3A_2, %mul3A_141 : i32
      %dma_start3A_143 = tpu.memref_slice %arg3[%add3A_142] : memref<320000xi32, #tpu.memory_space<hbm>> -> memref<80xi32, #tpu.memory_space<hbm>>
      %dma_start3A_144 = tpu.memref_slice %arg3[%add3A_142] : memref<320000xi32, #tpu.memory_space<hbm>> -> memref<80xi32, #tpu.memory_space<hbm>>
      tpu.enqueue_dma source(%dma_start3A_144 : memref<80xi32, #tpu.memory_space<hbm>>) target(%arg7 : memref<80xi32, #tpu.memory_space<vmem>>) target_semaphore(%arg16 : memref<!tpu.dma_semaphore, #tpu.memory_space<semaphore_mem>>)
      %scan3A_145 = arith.constant 0 : i32
      %scan3A_146 = arith.constant 0 : i32
      %scan3A_147 = arith.constant 80 : i32
      %scan3A_148 = arith.addi %scan3A_146, %scan3A_147 : i32
      %scan3A_149 = arith.constant 1 : i32
      %scan3A_150 = scf.for %scan3A_225 = %scan3A_146 to %scan3A_148 step %scan3A_149 iter_args(%scan3A_226 = %scan3A_145) -> (i32)  : i32 {
        %get3A = arith.index_cast %scan3A_225 : i32 to index
        %get3A_227 = arith.constant 0 : index
        %get3A_228 = tpu.vector_load %arg13[%get3A, %get3A_227] {strides = array<i32>} : memref<80x64xi32, #tpu.memory_space<vmem>>, vector<1x16xi32>,
        %get3A_229 = vector.shape_cast %get3A_228 : vector<1x16xi32> to vector<16xi32>
        %shift_left3A = vector.broadcast %scan3A_55 : i32 to vector<16xi32>
        %shift_left3A_230 = arith.shli %get3A_229, %shift_left3A : vector<16xi32>
        %bitcast_convert_type3A = tpu.bitcast %shift_left3A_230 : vector<16xi32> -> vector<16xf32>
        %and3A = vector.broadcast %scan3A_56 : i32 to vector<16xi32>
        %and3A_231 = arith.andi %get3A_229, %and3A : vector<16xi32>
        %bitcast_convert_type3A_232 = tpu.bitcast %and3A_231 : vector<16xi32> -> vector<16xf32>
        %get3A_233 = arith.index_cast %scan3A_225 : i32 to index
        %get3A_234 = arith.constant 0 : index
        %get3A_235 = tpu.vector_load %arg11[%get3A_233, %get3A_234] {strides = array<i32>} : memref<80x128xf32, #tpu.memory_space<vmem>>, vector<1x16xf32>,
        %get3A_236 = vector.shape_cast %get3A_235 : vector<1x16xf32> to vector<16xf32>
        %add3A_237 = arith.addf %get3A_236, %bitcast_convert_type3A : vector<16xf32>
        %max3A = arith.constant 0.000000e+00 : f32
        %max3A_238 = vector.broadcast %max3A : f32 to vector<16xf32>
        %max3A_239 = arith.maximumf %add3A_237, %max3A_238 : vector<16xf32>
        %swap3A = arith.index_cast %scan3A_225 : i32 to index
        %swap3A_240 = arith.constant 0 : index
        %swap3A_241 = tpu.vector_load %arg11[%swap3A, %swap3A_240] {strides = array<i32>} : memref<80x128xf32, #tpu.memory_space<vmem>>, vector<1x16xf32>,
        %swap3A_242 = vector.shape_cast %swap3A_241 : vector<1x16xf32> to vector<16xf32>
        %swap3A_243 = vector.shape_cast %max3A_239 : vector<16xf32> to vector<1x16xf32>
        tpu.vector_store %arg11[%swap3A, %swap3A_240], %swap3A_243 {strides = array<i32>} : memref<80x128xf32, #tpu.memory_space<vmem>>, vector<1x16xf32>,
        %get3A_244 = arith.index_cast %scan3A_225 : i32 to index
        %get3A_245 = arith.constant 64 : index
        %get3A_246 = tpu.vector_load %arg11[%get3A_244, %get3A_245] {strides = array<i32>} : memref<80x128xf32, #tpu.memory_space<vmem>>, vector<1x16xf32>,
        %get3A_247 = vector.shape_cast %get3A_246 : vector<1x16xf32> to vector<16xf32>
        %add3A_248 = arith.addf %get3A_247, %bitcast_convert_type3A_232 : vector<16xf32>
        %max3A_249 = arith.constant 0.000000e+00 : f32
        %max3A_250 = vector.broadcast %max3A_249 : f32 to vector<16xf32>
        %max3A_251 = arith.maximumf %add3A_248, %max3A_250 : vector<16xf32>
        %swap3A_252 = arith.index_cast %scan3A_225 : i32 to index
        %swap3A_253 = arith.constant 64 : index
        %swap3A_254 = tpu.vector_load %arg11[%swap3A_252, %swap3A_253] {strides = array<i32>} : memref<80x128xf32, #tpu.memory_space<vmem>>, vector<1x16xf32>,
        %swap3A_255 = vector.shape_cast %swap3A_254 : vector<1x16xf32> to vector<16xf32>
        %swap3A_256 = vector.shape_cast %max3A_251 : vector<16xf32> to vector<1x16xf32>
        tpu.vector_store %arg11[%swap3A_252, %swap3A_253], %swap3A_256 {strides = array<i32>} : memref<80x128xf32, #tpu.memory_space<vmem>>, vector<1x16xf32>,
        %get3A_257 = arith.index_cast %scan3A_225 : i32 to index
        %get3A_258 = arith.constant 16 : index
        %get3A_259 = tpu.vector_load %arg13[%get3A_257, %get3A_258] {strides = array<i32>} : memref<80x64xi32, #tpu.memory_space<vmem>>, vector<1x16xi32>,
        %get3A_260 = vector.shape_cast %get3A_259 : vector<1x16xi32> to vector<16xi32>
        %shift_left3A_261 = vector.broadcast %scan3A_55 : i32 to vector<16xi32>
        %shift_left3A_262 = arith.shli %get3A_260, %shift_left3A_261 : vector<16xi32>
        %bitcast_convert_type3A_263 = tpu.bitcast %shift_left3A_262 : vector<16xi32> -> vector<16xf32>
        %and3A_264 = vector.broadcast %scan3A_56 : i32 to vector<16xi32>
        %and3A_265 = arith.andi %get3A_260, %and3A_264 : vector<16xi32>
        %bitcast_convert_type3A_266 = tpu.bitcast %and3A_265 : vector<16xi32> -> vector<16xf32>
        %get3A_267 = arith.index_cast %scan3A_225 : i32 to index
        %get3A_268 = arith.constant 16 : index
        %get3A_269 = tpu.vector_load %arg11[%get3A_267, %get3A_268] {strides = array<i32>} : memref<80x128xf32, #tpu.memory_space<vmem>>, vector<1x16xf32>,
        %get3A_270 = vector.shape_cast %get3A_269 : vector<1x16xf32> to vector<16xf32>
        %add3A_271 = arith.addf %get3A_270, %bitcast_convert_type3A_263 : vector<16xf32>
        %max3A_272 = arith.constant 0.000000e+00 : f32
        %max3A_273 = vector.broadcast %max3A_272 : f32 to vector<16xf32>
        %max3A_274 = arith.maximumf %add3A_271, %max3A_273 : vector<16xf32>
        %swap3A_275 = arith.index_cast %scan3A_225 : i32 to index
        %swap3A_276 = arith.constant 16 : index
        %swap3A_277 = tpu.vector_load %arg11[%swap3A_275, %swap3A_276] {strides = array<i32>} : memref<80x128xf32, #tpu.memory_space<vmem>>, vector<1x16xf32>,
        %swap3A_278 = vector.shape_cast %swap3A_277 : vector<1x16xf32> to vector<16xf32>
        %swap3A_279 = vector.shape_cast %max3A_274 : vector<16xf32> to vector<1x16xf32>
        tpu.vector_store %arg11[%swap3A_275, %swap3A_276], %swap3A_279 {strides = array<i32>} : memref<80x128xf32, #tpu.memory_space<vmem>>, vector<1x16xf32>,
        %get3A_280 = arith.index_cast %scan3A_225 : i32 to index
        %get3A_281 = arith.constant 80 : index
        %get3A_282 = tpu.vector_load %arg11[%get3A_280, %get3A_281] {strides = array<i32>} : memref<80x128xf32, #tpu.memory_space<vmem>>, vector<1x16xf32>,
        %get3A_283 = vector.shape_cast %get3A_282 : vector<1x16xf32> to vector<16xf32>
        %add3A_284 = arith.addf %get3A_283, %bitcast_convert_type3A_266 : vector<16xf32>
        %max3A_285 = arith.constant 0.000000e+00 : f32
        %max3A_286 = vector.broadcast %max3A_285 : f32 to vector<16xf32>
        %max3A_287 = arith.maximumf %add3A_284, %max3A_286 : vector<16xf32>
        %swap3A_288 = arith.index_cast %scan3A_225 : i32 to index
        %swap3A_289 = arith.constant 80 : index
        %swap3A_290 = tpu.vector_load %arg11[%swap3A_288, %swap3A_289] {strides = array<i32>} : memref<80x128xf32, #tpu.memory_space<vmem>>, vector<1x16xf32>,
        %swap3A_291 = vector.shape_cast %swap3A_290 : vector<1x16xf32> to vector<16xf32>
        %swap3A_292 = vector.shape_cast %max3A_287 : vector<16xf32> to vector<1x16xf32>
        tpu.vector_store %arg11[%swap3A_288, %swap3A_289], %swap3A_292 {strides = array<i32>} : memref<80x128xf32, #tpu.memory_space<vmem>>, vector<1x16xf32>,
        %get3A_293 = arith.index_cast %scan3A_225 : i32 to index
        %get3A_294 = arith.constant 32 : index
        %get3A_295 = tpu.vector_load %arg13[%get3A_293, %get3A_294] {strides = array<i32>} : memref<80x64xi32, #tpu.memory_space<vmem>>, vector<1x16xi32>,
        %get3A_296 = vector.shape_cast %get3A_295 : vector<1x16xi32> to vector<16xi32>
        %shift_left3A_297 = vector.broadcast %scan3A_55 : i32 to vector<16xi32>
        %shift_left3A_298 = arith.shli %get3A_296, %shift_left3A_297 : vector<16xi32>
        %bitcast_convert_type3A_299 = tpu.bitcast %shift_left3A_298 : vector<16xi32> -> vector<16xf32>
        %and3A_300 = vector.broadcast %scan3A_56 : i32 to vector<16xi32>
        %and3A_301 = arith.andi %get3A_296, %and3A_300 : vector<16xi32>
        %bitcast_convert_type3A_302 = tpu.bitcast %and3A_301 : vector<16xi32> -> vector<16xf32>
        %get3A_303 = arith.index_cast %scan3A_225 : i32 to index
        %get3A_304 = arith.constant 32 : index
        %get3A_305 = tpu.vector_load %arg11[%get3A_303, %get3A_304] {strides = array<i32>} : memref<80x128xf32, #tpu.memory_space<vmem>>, vector<1x16xf32>,
        %get3A_306 = vector.shape_cast %get3A_305 : vector<1x16xf32> to vector<16xf32>
        %add3A_307 = arith.addf %get3A_306, %bitcast_convert_type3A_299 : vector<16xf32>
        %max3A_308 = arith.constant 0.000000e+00 : f32
        %max3A_309 = vector.broadcast %max3A_308 : f32 to vector<16xf32>
        %max3A_310 = arith.maximumf %add3A_307, %max3A_309 : vector<16xf32>
        %swap3A_311 = arith.index_cast %scan3A_225 : i32 to index
        %swap3A_312 = arith.constant 32 : index
        %swap3A_313 = tpu.vector_load %arg11[%swap3A_311, %swap3A_312] {strides = array<i32>} : memref<80x128xf32, #tpu.memory_space<vmem>>, vector<1x16xf32>,
        %swap3A_314 = vector.shape_cast %swap3A_313 : vector<1x16xf32> to vector<16xf32>
        %swap3A_315 = vector.shape_cast %max3A_310 : vector<16xf32> to vector<1x16xf32>
        tpu.vector_store %arg11[%swap3A_311, %swap3A_312], %swap3A_315 {strides = array<i32>} : memref<80x128xf32, #tpu.memory_space<vmem>>, vector<1x16xf32>,
        %get3A_316 = arith.index_cast %scan3A_225 : i32 to index
        %get3A_317 = arith.constant 96 : index
        %get3A_318 = tpu.vector_load %arg11[%get3A_316, %get3A_317] {strides = array<i32>} : memref<80x128xf32, #tpu.memory_space<vmem>>, vector<1x16xf32>,
        %get3A_319 = vector.shape_cast %get3A_318 : vector<1x16xf32> to vector<16xf32>
        %add3A_320 = arith.addf %get3A_319, %bitcast_convert_type3A_302 : vector<16xf32>
        %max3A_321 = arith.constant 0.000000e+00 : f32
        %max3A_322 = vector.broadcast %max3A_321 : f32 to vector<16xf32>
        %max3A_323 = arith.maximumf %add3A_320, %max3A_322 : vector<16xf32>
        %swap3A_324 = arith.index_cast %scan3A_225 : i32 to index
        %swap3A_325 = arith.constant 96 : index
        %swap3A_326 = tpu.vector_load %arg11[%swap3A_324, %swap3A_325] {strides = array<i32>} : memref<80x128xf32, #tpu.memory_space<vmem>>, vector<1x16xf32>,
        %swap3A_327 = vector.shape_cast %swap3A_326 : vector<1x16xf32> to vector<16xf32>
        %swap3A_328 = vector.shape_cast %max3A_323 : vector<16xf32> to vector<1x16xf32>
        tpu.vector_store %arg11[%swap3A_324, %swap3A_325], %swap3A_328 {strides = array<i32>} : memref<80x128xf32, #tpu.memory_space<vmem>>, vector<1x16xf32>,
        %get3A_329 = arith.index_cast %scan3A_225 : i32 to index
        %get3A_330 = arith.constant 48 : index
        %get3A_331 = tpu.vector_load %arg13[%get3A_329, %get3A_330] {strides = array<i32>} : memref<80x64xi32, #tpu.memory_space<vmem>>, vector<1x16xi32>,
        %get3A_332 = vector.shape_cast %get3A_331 : vector<1x16xi32> to vector<16xi32>
        %shift_left3A_333 = vector.broadcast %scan3A_55 : i32 to vector<16xi32>
        %shift_left3A_334 = arith.shli %get3A_332, %shift_left3A_333 : vector<16xi32>
        %bitcast_convert_type3A_335 = tpu.bitcast %shift_left3A_334 : vector<16xi32> -> vector<16xf32>
        %and3A_336 = vector.broadcast %scan3A_56 : i32 to vector<16xi32>
        %and3A_337 = arith.andi %get3A_332, %and3A_336 : vector<16xi32>
        %bitcast_convert_type3A_338 = tpu.bitcast %and3A_337 : vector<16xi32> -> vector<16xf32>
        %get3A_339 = arith.index_cast %scan3A_225 : i32 to index
        %get3A_340 = arith.constant 48 : index
        %get3A_341 = tpu.vector_load %arg11[%get3A_339, %get3A_340] {strides = array<i32>} : memref<80x128xf32, #tpu.memory_space<vmem>>, vector<1x16xf32>,
        %get3A_342 = vector.shape_cast %get3A_341 : vector<1x16xf32> to vector<16xf32>
        %add3A_343 = arith.addf %get3A_342, %bitcast_convert_type3A_335 : vector<16xf32>
        %max3A_344 = arith.constant 0.000000e+00 : f32
        %max3A_345 = vector.broadcast %max3A_344 : f32 to vector<16xf32>
        %max3A_346 = arith.maximumf %add3A_343, %max3A_345 : vector<16xf32>
        %swap3A_347 = arith.index_cast %scan3A_225 : i32 to index
        %swap3A_348 = arith.constant 48 : index
        %swap3A_349 = tpu.vector_load %arg11[%swap3A_347, %swap3A_348] {strides = array<i32>} : memref<80x128xf32, #tpu.memory_space<vmem>>, vector<1x16xf32>,
        %swap3A_350 = vector.shape_cast %swap3A_349 : vector<1x16xf32> to vector<16xf32>
        %swap3A_351 = vector.shape_cast %max3A_346 : vector<16xf32> to vector<1x16xf32>
        tpu.vector_store %arg11[%swap3A_347, %swap3A_348], %swap3A_351 {strides = array<i32>} : memref<80x128xf32, #tpu.memory_space<vmem>>, vector<1x16xf32>,
        %get3A_352 = arith.index_cast %scan3A_225 : i32 to index
        %get3A_353 = arith.constant 112 : index
        %get3A_354 = tpu.vector_load %arg11[%get3A_352, %get3A_353] {strides = array<i32>} : memref<80x128xf32, #tpu.memory_space<vmem>>, vector<1x16xf32>,
        %get3A_355 = vector.shape_cast %get3A_354 : vector<1x16xf32> to vector<16xf32>
        %add3A_356 = arith.addf %get3A_355, %bitcast_convert_type3A_338 : vector<16xf32>
        %max3A_357 = arith.constant 0.000000e+00 : f32
        %max3A_358 = vector.broadcast %max3A_357 : f32 to vector<16xf32>
        %max3A_359 = arith.maximumf %add3A_356, %max3A_358 : vector<16xf32>
        %swap3A_360 = arith.index_cast %scan3A_225 : i32 to index
        %swap3A_361 = arith.constant 112 : index
        %swap3A_362 = tpu.vector_load %arg11[%swap3A_360, %swap3A_361] {strides = array<i32>} : memref<80x128xf32, #tpu.memory_space<vmem>>, vector<1x16xf32>,
        %swap3A_363 = vector.shape_cast %swap3A_362 : vector<1x16xf32> to vector<16xf32>
        %swap3A_364 = vector.shape_cast %max3A_359 : vector<16xf32> to vector<1x16xf32>
        tpu.vector_store %arg11[%swap3A_360, %swap3A_361], %swap3A_364 {strides = array<i32>} : memref<80x128xf32, #tpu.memory_space<vmem>>, vector<1x16xf32>,
        %scan3A_365 = arith.constant 0 : i32
        scf.yield %scan3A_365 : i32
      }
      %scan3A_151 = arith.constant 80 : i32
      %dma_wait3A_152 = arith.constant 0 : i32
      %dma_wait3A_153 = tpu.memref_slice %arg4[%dma_wait3A_152] : memref<320000xi32, #tpu.memory_space<hbm>> -> memref<80xi32, #tpu.memory_space<hbm>>
      %dma_wait3A_154 = arith.constant 0 : i32
      %dma_wait3A_155 = tpu.memref_slice %arg4[%dma_wait3A_154] : memref<320000xi32, #tpu.memory_space<hbm>> -> memref<80xi32, #tpu.memory_space<hbm>>
      tpu.wait_dma2 semaphore(%arg18 : memref<!tpu.dma_semaphore, #tpu.memory_space<semaphore_mem>>) src(%dma_wait3A_155 : memref<80xi32, #tpu.memory_space<hbm>>) dst(%arg9 : memref<80xi32, #tpu.memory_space<vmem>>)
      %dma_start3A_156 = arith.constant 0 : i32
      %dma_start3A_157 = arith.constant 0 : i32
      %dma_start3A_158 = tpu.memref_slice %arg15[%dma_start3A_156, %dma_start3A_157] : memref<10240x128xf32, #tpu.memory_space<vmem_shared>> -> memref<10240x128xf32, #tpu.memory_space<vmem_shared>>
      tpu.enqueue_indirect_dma source(%arg11 : memref<80x128xf32, #tpu.memory_space<vmem>>) target(%dma_start3A_158 : memref<10240x128xf32, #tpu.memory_space<vmem_shared>>) offsets(%arg9 : memref<80xi32, #tpu.memory_space<vmem>>) semaphore(%arg24 : memref<!tpu.dma_semaphore, #tpu.memory_space<semaphore_mem>>) {add = true}
      %mul3A_159 = arith.constant 80 : i32
      %mul3A_160 = arith.muli %min3A_112, %mul3A_159 : i32
      %add3A_161 = arith.addi %mul3A_2, %mul3A_160 : i32
      %dma_start3A_162 = tpu.memref_slice %arg4[%add3A_161] : memref<320000xi32, #tpu.memory_space<hbm>> -> memref<80xi32, #tpu.memory_space<hbm>>
      %dma_start3A_163 = tpu.memref_slice %arg4[%add3A_161] : memref<320000xi32, #tpu.memory_space<hbm>> -> memref<80xi32, #tpu.memory_space<hbm>>
      tpu.enqueue_dma source(%dma_start3A_163 : memref<80xi32, #tpu.memory_space<hbm>>) target(%arg9 : memref<80xi32, #tpu.memory_space<vmem>>) target_semaphore(%arg18 : memref<!tpu.dma_semaphore, #tpu.memory_space<semaphore_mem>>)
      %mul3A_164 = arith.constant 2 : i32
      %mul3A_165 = arith.muli %mul3A_164, %scan3A_104 : i32
      %add3A_166 = arith.constant 1 : i32
      %add3A_167 = arith.addi %mul3A_165, %add3A_166 : i32
      %add3A_168 = arith.constant 2 : i32
      %add3A_169 = arith.addi %add3A_167, %add3A_168 : i32
      %min3A_170 = arith.constant 124 : i32
      %min3A_171 = arith.minsi %add3A_169, %min3A_170 : i32
      %dma_wait3A_172 = arith.constant 0 : i32
      %dma_wait3A_173 = tpu.memref_slice %arg3[%dma_wait3A_172] : memref<320000xi32, #tpu.memory_space<hbm>> -> memref<80xi32, #tpu.memory_space<hbm>>
      %dma_wait3A_174 = arith.constant 0 : i32
      %dma_wait3A_175 = tpu.memref_slice %arg3[%dma_wait3A_174] : memref<320000xi32, #tpu.memory_space<hbm>> -> memref<80xi32, #tpu.memory_space<hbm>>
      tpu.wait_dma2 semaphore(%arg16 : memref<!tpu.dma_semaphore, #tpu.memory_space<semaphore_mem>>) src(%dma_wait3A_175 : memref<80xi32, #tpu.memory_space<hbm>>) dst(%arg7 : memref<80xi32, #tpu.memory_space<vmem>>)
      %dma_wait3A_176 = arith.constant 0 : i32
      %dma_wait3A_177 = arith.constant 0 : i32
      %dma_wait3A_178 = tpu.memref_slice %arg15[%dma_wait3A_176, %dma_wait3A_177] : memref<10240x128xf32, #tpu.memory_space<vmem_shared>> -> memref<10240x128xf32, #tpu.memory_space<vmem_shared>>
      tpu.wait_indirect_dma semaphore(%arg24 : memref<!tpu.dma_semaphore, #tpu.memory_space<semaphore_mem>>) src(%arg11 : memref<80x128xf32, #tpu.memory_space<vmem>>) dst(%dma_wait3A_178 : memref<10240x128xf32, #tpu.memory_space<vmem_shared>>)
      %add3A_179 = arith.constant 1 : i32
      %add3A_180 = arith.addi %add3A_167, %add3A_179 : i32
      %dma_start3A_181 = arith.constant 0 : i32
      %dma_start3A_182 = arith.constant 0 : i32
      %dma_start3A_183 = tpu.memref_slice %arg2[%dma_start3A_181, %dma_start3A_182] : memref<10000x128xf32, #tpu.memory_space<hbm>> -> memref<10000x128xf32, #tpu.memory_space<hbm>>
      tpu.enqueue_indirect_dma source(%dma_start3A_183 : memref<10000x128xf32, #tpu.memory_space<hbm>>) target(%arg11 : memref<80x128xf32, #tpu.memory_space<vmem>>) offsets(%arg7 : memref<80xi32, #tpu.memory_space<vmem>>) semaphore(%arg20 : memref<!tpu.dma_semaphore, #tpu.memory_space<semaphore_mem>>)
      %mul3A_184 = arith.constant 80 : i32
      %mul3A_185 = arith.muli %add3A_180, %mul3A_184 : i32
      %add3A_186 = arith.addi %mul3A_2, %mul3A_185 : i32
      %dma_start3A_187 = arith.constant 0 : i32
      %dma_start3A_188 = tpu.memref_slice %arg5[%add3A_186, %dma_start3A_187] : memref<320000x64xi32, #tpu.memory_space<hbm>> -> memref<80x64xi32, #tpu.memory_space<hbm>>
      %dma_start3A_189 = arith.constant 0 : i32
      %dma_start3A_190 = tpu.memref_slice %arg5[%add3A_186, %dma_start3A_189] : memref<320000x64xi32, #tpu.memory_space<hbm>> -> memref<80x64xi32, #tpu.memory_space<hbm>>
      tpu.enqueue_dma source(%dma_start3A_190 : memref<80x64xi32, #tpu.memory_space<hbm>>) target(%arg13 : memref<80x64xi32, #tpu.memory_space<vmem>>) target_semaphore(%arg22 : memref<!tpu.dma_semaphore, #tpu.memory_space<semaphore_mem>>)
      %dma_wait3A_191 = arith.constant 0 : i32
      %dma_wait3A_192 = arith.constant 0 : i32
      %dma_wait3A_193 = tpu.memref_slice %arg2[%dma_wait3A_191, %dma_wait3A_192] : memref<10000x128xf32, #tpu.memory_space<hbm>> -> memref<10000x128xf32, #tpu.memory_space<hbm>>
      tpu.wait_indirect_dma semaphore(%arg21 : memref<!tpu.dma_semaphore, #tpu.memory_space<semaphore_mem>>) src(%dma_wait3A_193 : memref<10000x128xf32, #tpu.memory_space<hbm>>) dst(%arg12 : memref<80x128xf32, #tpu.memory_space<vmem>>)
      %dma_wait3A_194 = arith.constant 0 : i32
      %dma_wait3A_195 = arith.constant 0 : i32
      %dma_wait3A_196 = tpu.memref_slice %arg5[%dma_wait3A_194, %dma_wait3A_195] : memref<320000x64xi32, #tpu.memory_space<hbm>> -> memref<80x64xi32, #tpu.memory_space<hbm>>
      %dma_wait3A_197 = arith.constant 0 : i32
      %dma_wait3A_198 = arith.constant 0 : i32
      %dma_wait3A_199 = tpu.memref_slice %arg5[%dma_wait3A_197, %dma_wait3A_198] : memref<320000x64xi32, #tpu.memory_space<hbm>> -> memref<80x64xi32, #tpu.memory_space<hbm>>
      tpu.wait_dma2 semaphore(%arg23 : memref<!tpu.dma_semaphore, #tpu.memory_space<semaphore_mem>>) src(%dma_wait3A_199 : memref<80x64xi32, #tpu.memory_space<hbm>>) dst(%arg14 : memref<80x64xi32, #tpu.memory_space<vmem>>)
      %mul3A_200 = arith.constant 80 : i32
      %mul3A_201 = arith.muli %min3A_171, %mul3A_200 : i32
      %add3A_202 = arith.addi %mul3A_2, %mul3A_201 : i32
      %dma_start3A_203 = tpu.memref_slice %arg3[%add3A_202] : memref<320000xi32, #tpu.memory_space<hbm>> -> memref<80xi32, #tpu.memory_space<hbm>>
      %dma_start3A_204 = tpu.memref_slice %arg3[%add3A_202] : memref<320000xi32, #tpu.memory_space<hbm>> -> memref<80xi32, #tpu.memory_space<hbm>>
      tpu.enqueue_dma source(%dma_start3A_204 : memref<80xi32, #tpu.memory_space<hbm>>) target(%arg8 : memref<80xi32, #tpu.memory_space<vmem>>) target_semaphore(%arg17 : memref<!tpu.dma_semaphore, #tpu.memory_space<semaphore_mem>>)
      %scan3A_205 = arith.constant 0 : i32
      %scan3A_206 = arith.constant 0 : i32
      %scan3A_207 = arith.constant 80 : i32
      %scan3A_208 = arith.addi %scan3A_206, %scan3A_207 : i32
      %scan3A_209 = arith.constant 1 : i32
      %scan3A_210 = scf.for %scan3A_225 = %scan3A_206 to %scan3A_208 step %scan3A_209 iter_args(%scan3A_226 = %scan3A_205) -> (i32)  : i32 {
        %get3A = arith.index_cast %scan3A_225 : i32 to index
        %get3A_227 = arith.constant 0 : index
        %get3A_228 = tpu.vector_load %arg14[%get3A, %get3A_227] {strides = array<i32>} : memref<80x64xi32, #tpu.memory_space<vmem>>, vector<1x16xi32>,
        %get3A_229 = vector.shape_cast %get3A_228 : vector<1x16xi32> to vector<16xi32>
        %shift_left3A = vector.broadcast %scan3A_55 : i32 to vector<16xi32>
        %shift_left3A_230 = arith.shli %get3A_229, %shift_left3A : vector<16xi32>
        %bitcast_convert_type3A = tpu.bitcast %shift_left3A_230 : vector<16xi32> -> vector<16xf32>
        %and3A = vector.broadcast %scan3A_56 : i32 to vector<16xi32>
        %and3A_231 = arith.andi %get3A_229, %and3A : vector<16xi32>
        %bitcast_convert_type3A_232 = tpu.bitcast %and3A_231 : vector<16xi32> -> vector<16xf32>
        %get3A_233 = arith.index_cast %scan3A_225 : i32 to index
        %get3A_234 = arith.constant 0 : index
        %get3A_235 = tpu.vector_load %arg12[%get3A_233, %get3A_234] {strides = array<i32>} : memref<80x128xf32, #tpu.memory_space<vmem>>, vector<1x16xf32>,
        %get3A_236 = vector.shape_cast %get3A_235 : vector<1x16xf32> to vector<16xf32>
        %add3A_237 = arith.addf %get3A_236, %bitcast_convert_type3A : vector<16xf32>
        %max3A = arith.constant 0.000000e+00 : f32
        %max3A_238 = vector.broadcast %max3A : f32 to vector<16xf32>
        %max3A_239 = arith.maximumf %add3A_237, %max3A_238 : vector<16xf32>
        %swap3A = arith.index_cast %scan3A_225 : i32 to index
        %swap3A_240 = arith.constant 0 : index
        %swap3A_241 = tpu.vector_load %arg12[%swap3A, %swap3A_240] {strides = array<i32>} : memref<80x128xf32, #tpu.memory_space<vmem>>, vector<1x16xf32>,
        %swap3A_242 = vector.shape_cast %swap3A_241 : vector<1x16xf32> to vector<16xf32>
        %swap3A_243 = vector.shape_cast %max3A_239 : vector<16xf32> to vector<1x16xf32>
        tpu.vector_store %arg12[%swap3A, %swap3A_240], %swap3A_243 {strides = array<i32>} : memref<80x128xf32, #tpu.memory_space<vmem>>, vector<1x16xf32>,
        %get3A_244 = arith.index_cast %scan3A_225 : i32 to index
        %get3A_245 = arith.constant 64 : index
        %get3A_246 = tpu.vector_load %arg12[%get3A_244, %get3A_245] {strides = array<i32>} : memref<80x128xf32, #tpu.memory_space<vmem>>, vector<1x16xf32>,
        %get3A_247 = vector.shape_cast %get3A_246 : vector<1x16xf32> to vector<16xf32>
        %add3A_248 = arith.addf %get3A_247, %bitcast_convert_type3A_232 : vector<16xf32>
        %max3A_249 = arith.constant 0.000000e+00 : f32
        %max3A_250 = vector.broadcast %max3A_249 : f32 to vector<16xf32>
        %max3A_251 = arith.maximumf %add3A_248, %max3A_250 : vector<16xf32>
        %swap3A_252 = arith.index_cast %scan3A_225 : i32 to index
        %swap3A_253 = arith.constant 64 : index
        %swap3A_254 = tpu.vector_load %arg12[%swap3A_252, %swap3A_253] {strides = array<i32>} : memref<80x128xf32, #tpu.memory_space<vmem>>, vector<1x16xf32>,
        %swap3A_255 = vector.shape_cast %swap3A_254 : vector<1x16xf32> to vector<16xf32>
        %swap3A_256 = vector.shape_cast %max3A_251 : vector<16xf32> to vector<1x16xf32>
        tpu.vector_store %arg12[%swap3A_252, %swap3A_253], %swap3A_256 {strides = array<i32>} : memref<80x128xf32, #tpu.memory_space<vmem>>, vector<1x16xf32>,
        %get3A_257 = arith.index_cast %scan3A_225 : i32 to index
        %get3A_258 = arith.constant 16 : index
        %get3A_259 = tpu.vector_load %arg14[%get3A_257, %get3A_258] {strides = array<i32>} : memref<80x64xi32, #tpu.memory_space<vmem>>, vector<1x16xi32>,
        %get3A_260 = vector.shape_cast %get3A_259 : vector<1x16xi32> to vector<16xi32>
        %shift_left3A_261 = vector.broadcast %scan3A_55 : i32 to vector<16xi32>
        %shift_left3A_262 = arith.shli %get3A_260, %shift_left3A_261 : vector<16xi32>
        %bitcast_convert_type3A_263 = tpu.bitcast %shift_left3A_262 : vector<16xi32> -> vector<16xf32>
        %and3A_264 = vector.broadcast %scan3A_56 : i32 to vector<16xi32>
        %and3A_265 = arith.andi %get3A_260, %and3A_264 : vector<16xi32>
        %bitcast_convert_type3A_266 = tpu.bitcast %and3A_265 : vector<16xi32> -> vector<16xf32>
        %get3A_267 = arith.index_cast %scan3A_225 : i32 to index
        %get3A_268 = arith.constant 16 : index
        %get3A_269 = tpu.vector_load %arg12[%get3A_267, %get3A_268] {strides = array<i32>} : memref<80x128xf32, #tpu.memory_space<vmem>>, vector<1x16xf32>,
        %get3A_270 = vector.shape_cast %get3A_269 : vector<1x16xf32> to vector<16xf32>
        %add3A_271 = arith.addf %get3A_270, %bitcast_convert_type3A_263 : vector<16xf32>
        %max3A_272 = arith.constant 0.000000e+00 : f32
        %max3A_273 = vector.broadcast %max3A_272 : f32 to vector<16xf32>
        %max3A_274 = arith.maximumf %add3A_271, %max3A_273 : vector<16xf32>
        %swap3A_275 = arith.index_cast %scan3A_225 : i32 to index
        %swap3A_276 = arith.constant 16 : index
        %swap3A_277 = tpu.vector_load %arg12[%swap3A_275, %swap3A_276] {strides = array<i32>} : memref<80x128xf32, #tpu.memory_space<vmem>>, vector<1x16xf32>,
        %swap3A_278 = vector.shape_cast %swap3A_277 : vector<1x16xf32> to vector<16xf32>
        %swap3A_279 = vector.shape_cast %max3A_274 : vector<16xf32> to vector<1x16xf32>
        tpu.vector_store %arg12[%swap3A_275, %swap3A_276], %swap3A_279 {strides = array<i32>} : memref<80x128xf32, #tpu.memory_space<vmem>>, vector<1x16xf32>,
        %get3A_280 = arith.index_cast %scan3A_225 : i32 to index
        %get3A_281 = arith.constant 80 : index
        %get3A_282 = tpu.vector_load %arg12[%get3A_280, %get3A_281] {strides = array<i32>} : memref<80x128xf32, #tpu.memory_space<vmem>>, vector<1x16xf32>,
        %get3A_283 = vector.shape_cast %get3A_282 : vector<1x16xf32> to vector<16xf32>
        %add3A_284 = arith.addf %get3A_283, %bitcast_convert_type3A_266 : vector<16xf32>
        %max3A_285 = arith.constant 0.000000e+00 : f32
        %max3A_286 = vector.broadcast %max3A_285 : f32 to vector<16xf32>
        %max3A_287 = arith.maximumf %add3A_284, %max3A_286 : vector<16xf32>
        %swap3A_288 = arith.index_cast %scan3A_225 : i32 to index
        %swap3A_289 = arith.constant 80 : index
        %swap3A_290 = tpu.vector_load %arg12[%swap3A_288, %swap3A_289] {strides = array<i32>} : memref<80x128xf32, #tpu.memory_space<vmem>>, vector<1x16xf32>,
        %swap3A_291 = vector.shape_cast %swap3A_290 : vector<1x16xf32> to vector<16xf32>
        %swap3A_292 = vector.shape_cast %max3A_287 : vector<16xf32> to vector<1x16xf32>
        tpu.vector_store %arg12[%swap3A_288, %swap3A_289], %swap3A_292 {strides = array<i32>} : memref<80x128xf32, #tpu.memory_space<vmem>>, vector<1x16xf32>,
        %get3A_293 = arith.index_cast %scan3A_225 : i32 to index
        %get3A_294 = arith.constant 32 : index
        %get3A_295 = tpu.vector_load %arg14[%get3A_293, %get3A_294] {strides = array<i32>} : memref<80x64xi32, #tpu.memory_space<vmem>>, vector<1x16xi32>,
        %get3A_296 = vector.shape_cast %get3A_295 : vector<1x16xi32> to vector<16xi32>
        %shift_left3A_297 = vector.broadcast %scan3A_55 : i32 to vector<16xi32>
        %shift_left3A_298 = arith.shli %get3A_296, %shift_left3A_297 : vector<16xi32>
        %bitcast_convert_type3A_299 = tpu.bitcast %shift_left3A_298 : vector<16xi32> -> vector<16xf32>
        %and3A_300 = vector.broadcast %scan3A_56 : i32 to vector<16xi32>
        %and3A_301 = arith.andi %get3A_296, %and3A_300 : vector<16xi32>
        %bitcast_convert_type3A_302 = tpu.bitcast %and3A_301 : vector<16xi32> -> vector<16xf32>
        %get3A_303 = arith.index_cast %scan3A_225 : i32 to index
        %get3A_304 = arith.constant 32 : index
        %get3A_305 = tpu.vector_load %arg12[%get3A_303, %get3A_304] {strides = array<i32>} : memref<80x128xf32, #tpu.memory_space<vmem>>, vector<1x16xf32>,
        %get3A_306 = vector.shape_cast %get3A_305 : vector<1x16xf32> to vector<16xf32>
        %add3A_307 = arith.addf %get3A_306, %bitcast_convert_type3A_299 : vector<16xf32>
        %max3A_308 = arith.constant 0.000000e+00 : f32
        %max3A_309 = vector.broadcast %max3A_308 : f32 to vector<16xf32>
        %max3A_310 = arith.maximumf %add3A_307, %max3A_309 : vector<16xf32>
        %swap3A_311 = arith.index_cast %scan3A_225 : i32 to index
        %swap3A_312 = arith.constant 32 : index
        %swap3A_313 = tpu.vector_load %arg12[%swap3A_311, %swap3A_312] {strides = array<i32>} : memref<80x128xf32, #tpu.memory_space<vmem>>, vector<1x16xf32>,
        %swap3A_314 = vector.shape_cast %swap3A_313 : vector<1x16xf32> to vector<16xf32>
        %swap3A_315 = vector.shape_cast %max3A_310 : vector<16xf32> to vector<1x16xf32>
        tpu.vector_store %arg12[%swap3A_311, %swap3A_312], %swap3A_315 {strides = array<i32>} : memref<80x128xf32, #tpu.memory_space<vmem>>, vector<1x16xf32>,
        %get3A_316 = arith.index_cast %scan3A_225 : i32 to index
        %get3A_317 = arith.constant 96 : index
        %get3A_318 = tpu.vector_load %arg12[%get3A_316, %get3A_317] {strides = array<i32>} : memref<80x128xf32, #tpu.memory_space<vmem>>, vector<1x16xf32>,
        %get3A_319 = vector.shape_cast %get3A_318 : vector<1x16xf32> to vector<16xf32>
        %add3A_320 = arith.addf %get3A_319, %bitcast_convert_type3A_302 : vector<16xf32>
        %max3A_321 = arith.constant 0.000000e+00 : f32
        %max3A_322 = vector.broadcast %max3A_321 : f32 to vector<16xf32>
        %max3A_323 = arith.maximumf %add3A_320, %max3A_322 : vector<16xf32>
        %swap3A_324 = arith.index_cast %scan3A_225 : i32 to index
        %swap3A_325 = arith.constant 96 : index
        %swap3A_326 = tpu.vector_load %arg12[%swap3A_324, %swap3A_325] {strides = array<i32>} : memref<80x128xf32, #tpu.memory_space<vmem>>, vector<1x16xf32>,
        %swap3A_327 = vector.shape_cast %swap3A_326 : vector<1x16xf32> to vector<16xf32>
        %swap3A_328 = vector.shape_cast %max3A_323 : vector<16xf32> to vector<1x16xf32>
        tpu.vector_store %arg12[%swap3A_324, %swap3A_325], %swap3A_328 {strides = array<i32>} : memref<80x128xf32, #tpu.memory_space<vmem>>, vector<1x16xf32>,
        %get3A_329 = arith.index_cast %scan3A_225 : i32 to index
        %get3A_330 = arith.constant 48 : index
        %get3A_331 = tpu.vector_load %arg14[%get3A_329, %get3A_330] {strides = array<i32>} : memref<80x64xi32, #tpu.memory_space<vmem>>, vector<1x16xi32>,
        %get3A_332 = vector.shape_cast %get3A_331 : vector<1x16xi32> to vector<16xi32>
        %shift_left3A_333 = vector.broadcast %scan3A_55 : i32 to vector<16xi32>
        %shift_left3A_334 = arith.shli %get3A_332, %shift_left3A_333 : vector<16xi32>
        %bitcast_convert_type3A_335 = tpu.bitcast %shift_left3A_334 : vector<16xi32> -> vector<16xf32>
        %and3A_336 = vector.broadcast %scan3A_56 : i32 to vector<16xi32>
        %and3A_337 = arith.andi %get3A_332, %and3A_336 : vector<16xi32>
        %bitcast_convert_type3A_338 = tpu.bitcast %and3A_337 : vector<16xi32> -> vector<16xf32>
        %get3A_339 = arith.index_cast %scan3A_225 : i32 to index
        %get3A_340 = arith.constant 48 : index
        %get3A_341 = tpu.vector_load %arg12[%get3A_339, %get3A_340] {strides = array<i32>} : memref<80x128xf32, #tpu.memory_space<vmem>>, vector<1x16xf32>,
        %get3A_342 = vector.shape_cast %get3A_341 : vector<1x16xf32> to vector<16xf32>
        %add3A_343 = arith.addf %get3A_342, %bitcast_convert_type3A_335 : vector<16xf32>
        %max3A_344 = arith.constant 0.000000e+00 : f32
        %max3A_345 = vector.broadcast %max3A_344 : f32 to vector<16xf32>
        %max3A_346 = arith.maximumf %add3A_343, %max3A_345 : vector<16xf32>
        %swap3A_347 = arith.index_cast %scan3A_225 : i32 to index
        %swap3A_348 = arith.constant 48 : index
        %swap3A_349 = tpu.vector_load %arg12[%swap3A_347, %swap3A_348] {strides = array<i32>} : memref<80x128xf32, #tpu.memory_space<vmem>>, vector<1x16xf32>,
        %swap3A_350 = vector.shape_cast %swap3A_349 : vector<1x16xf32> to vector<16xf32>
        %swap3A_351 = vector.shape_cast %max3A_346 : vector<16xf32> to vector<1x16xf32>
        tpu.vector_store %arg12[%swap3A_347, %swap3A_348], %swap3A_351 {strides = array<i32>} : memref<80x128xf32, #tpu.memory_space<vmem>>, vector<1x16xf32>,
        %get3A_352 = arith.index_cast %scan3A_225 : i32 to index
        %get3A_353 = arith.constant 112 : index
        %get3A_354 = tpu.vector_load %arg12[%get3A_352, %get3A_353] {strides = array<i32>} : memref<80x128xf32, #tpu.memory_space<vmem>>, vector<1x16xf32>,
        %get3A_355 = vector.shape_cast %get3A_354 : vector<1x16xf32> to vector<16xf32>
        %add3A_356 = arith.addf %get3A_355, %bitcast_convert_type3A_338 : vector<16xf32>
        %max3A_357 = arith.constant 0.000000e+00 : f32
        %max3A_358 = vector.broadcast %max3A_357 : f32 to vector<16xf32>
        %max3A_359 = arith.maximumf %add3A_356, %max3A_358 : vector<16xf32>
        %swap3A_360 = arith.index_cast %scan3A_225 : i32 to index
        %swap3A_361 = arith.constant 112 : index
        %swap3A_362 = tpu.vector_load %arg12[%swap3A_360, %swap3A_361] {strides = array<i32>} : memref<80x128xf32, #tpu.memory_space<vmem>>, vector<1x16xf32>,
        %swap3A_363 = vector.shape_cast %swap3A_362 : vector<1x16xf32> to vector<16xf32>
        %swap3A_364 = vector.shape_cast %max3A_359 : vector<16xf32> to vector<1x16xf32>
        tpu.vector_store %arg12[%swap3A_360, %swap3A_361], %swap3A_364 {strides = array<i32>} : memref<80x128xf32, #tpu.memory_space<vmem>>, vector<1x16xf32>,
        %scan3A_365 = arith.constant 0 : i32
        scf.yield %scan3A_365 : i32
      }
      %scan3A_211 = arith.constant 80 : i32
      %dma_wait3A_212 = arith.constant 0 : i32
      %dma_wait3A_213 = tpu.memref_slice %arg4[%dma_wait3A_212] : memref<320000xi32, #tpu.memory_space<hbm>> -> memref<80xi32, #tpu.memory_space<hbm>>
      %dma_wait3A_214 = arith.constant 0 : i32
      %dma_wait3A_215 = tpu.memref_slice %arg4[%dma_wait3A_214] : memref<320000xi32, #tpu.memory_space<hbm>> -> memref<80xi32, #tpu.memory_space<hbm>>
      tpu.wait_dma2 semaphore(%arg19 : memref<!tpu.dma_semaphore, #tpu.memory_space<semaphore_mem>>) src(%dma_wait3A_215 : memref<80xi32, #tpu.memory_space<hbm>>) dst(%arg10 : memref<80xi32, #tpu.memory_space<vmem>>)
      %dma_start3A_216 = arith.constant 0 : i32
      %dma_start3A_217 = arith.constant 0 : i32
      %dma_start3A_218 = tpu.memref_slice %arg15[%dma_start3A_216, %dma_start3A_217] : memref<10240x128xf32, #tpu.memory_space<vmem_shared>> -> memref<10240x128xf32, #tpu.memory_space<vmem_shared>>
      tpu.enqueue_indirect_dma source(%arg12 : memref<80x128xf32, #tpu.memory_space<vmem>>) target(%dma_start3A_218 : memref<10240x128xf32, #tpu.memory_space<vmem_shared>>) offsets(%arg10 : memref<80xi32, #tpu.memory_space<vmem>>) semaphore(%arg25 : memref<!tpu.dma_semaphore, #tpu.memory_space<semaphore_mem>>) {add = true}
      %mul3A_219 = arith.constant 80 : i32
      %mul3A_220 = arith.muli %min3A_171, %mul3A_219 : i32
      %add3A_221 = arith.addi %mul3A_2, %mul3A_220 : i32
      %dma_start3A_222 = tpu.memref_slice %arg4[%add3A_221] : memref<320000xi32, #tpu.memory_space<hbm>> -> memref<80xi32, #tpu.memory_space<hbm>>
      %dma_start3A_223 = tpu.memref_slice %arg4[%add3A_221] : memref<320000xi32, #tpu.memory_space<hbm>> -> memref<80xi32, #tpu.memory_space<hbm>>
      tpu.enqueue_dma source(%dma_start3A_223 : memref<80xi32, #tpu.memory_space<hbm>>) target(%arg10 : memref<80xi32, #tpu.memory_space<vmem>>) target_semaphore(%arg19 : memref<!tpu.dma_semaphore, #tpu.memory_space<semaphore_mem>>)
      %scan3A_224 = arith.constant 0 : i32
      scf.yield %scan3A_224 : i32
    }
    %scan3A_63 = arith.constant 62 : i32
    %dma_wait3A_64 = arith.constant 0 : i32
    %dma_wait3A_65 = arith.constant 0 : i32
    %dma_wait3A_66 = tpu.memref_slice %arg2[%dma_wait3A_64, %dma_wait3A_65] : memref<10000x128xf32, #tpu.memory_space<hbm>> -> memref<10000x128xf32, #tpu.memory_space<hbm>>
    tpu.wait_indirect_dma semaphore(%arg20 : memref<!tpu.dma_semaphore, #tpu.memory_space<semaphore_mem>>) src(%dma_wait3A_66 : memref<10000x128xf32, #tpu.memory_space<hbm>>) dst(%arg11 : memref<80x128xf32, #tpu.memory_space<vmem>>)
    %dma_wait3A_67 = arith.constant 0 : i32
    %dma_wait3A_68 = arith.constant 0 : i32
    %dma_wait3A_69 = tpu.memref_slice %arg5[%dma_wait3A_67, %dma_wait3A_68] : memref<320000x64xi32, #tpu.memory_space<hbm>> -> memref<80x64xi32, #tpu.memory_space<hbm>>
    %dma_wait3A_70 = arith.constant 0 : i32
    %dma_wait3A_71 = arith.constant 0 : i32
    %dma_wait3A_72 = tpu.memref_slice %arg5[%dma_wait3A_70, %dma_wait3A_71] : memref<320000x64xi32, #tpu.memory_space<hbm>> -> memref<80x64xi32, #tpu.memory_space<hbm>>
    tpu.wait_dma2 semaphore(%arg22 : memref<!tpu.dma_semaphore, #tpu.memory_space<semaphore_mem>>) src(%dma_wait3A_72 : memref<80x64xi32, #tpu.memory_space<hbm>>) dst(%arg13 : memref<80x64xi32, #tpu.memory_space<vmem>>)
    %scan3A_73 = arith.constant 16 : i32
    %scan3A_74 = arith.constant -65536 : i32
    %scan3A_75 = arith.constant 0 : i32
    %scan3A_76 = arith.constant 0 : i32
    %scan3A_77 = arith.constant 80 : i32
    %scan3A_78 = arith.addi %scan3A_76, %scan3A_77 : i32
    %scan3A_79 = arith.constant 1 : i32
    %scan3A_80 = scf.for %scan3A_104 = %scan3A_76 to %scan3A_78 step %scan3A_79 iter_args(%scan3A_105 = %scan3A_75) -> (i32)  : i32 {
      %get3A = arith.index_cast %scan3A_104 : i32 to index
      %get3A_106 = arith.constant 0 : index
      %get3A_107 = tpu.vector_load %arg13[%get3A, %get3A_106] {strides = array<i32>} : memref<80x64xi32, #tpu.memory_space<vmem>>, vector<1x16xi32>,
      %get3A_108 = vector.shape_cast %get3A_107 : vector<1x16xi32> to vector<16xi32>
      %shift_left3A = vector.broadcast %scan3A_73 : i32 to vector<16xi32>
      %shift_left3A_109 = arith.shli %get3A_108, %shift_left3A : vector<16xi32>
      %bitcast_convert_type3A = tpu.bitcast %shift_left3A_109 : vector<16xi32> -> vector<16xf32>
      %and3A = vector.broadcast %scan3A_74 : i32 to vector<16xi32>
      %and3A_110 = arith.andi %get3A_108, %and3A : vector<16xi32>
      %bitcast_convert_type3A_111 = tpu.bitcast %and3A_110 : vector<16xi32> -> vector<16xf32>
      %get3A_112 = arith.index_cast %scan3A_104 : i32 to index
      %get3A_113 = arith.constant 0 : index
      %get3A_114 = tpu.vector_load %arg11[%get3A_112, %get3A_113] {strides = array<i32>} : memref<80x128xf32, #tpu.memory_space<vmem>>, vector<1x16xf32>,
      %get3A_115 = vector.shape_cast %get3A_114 : vector<1x16xf32> to vector<16xf32>
      %add3A_116 = arith.addf %get3A_115, %bitcast_convert_type3A : vector<16xf32>
      %max3A = arith.constant 0.000000e+00 : f32
      %max3A_117 = vector.broadcast %max3A : f32 to vector<16xf32>
      %max3A_118 = arith.maximumf %add3A_116, %max3A_117 : vector<16xf32>
      %swap3A = arith.index_cast %scan3A_104 : i32 to index
      %swap3A_119 = arith.constant 0 : index
      %swap3A_120 = tpu.vector_load %arg11[%swap3A, %swap3A_119] {strides = array<i32>} : memref<80x128xf32, #tpu.memory_space<vmem>>, vector<1x16xf32>,
      %swap3A_121 = vector.shape_cast %swap3A_120 : vector<1x16xf32> to vector<16xf32>
      %swap3A_122 = vector.shape_cast %max3A_118 : vector<16xf32> to vector<1x16xf32>
      tpu.vector_store %arg11[%swap3A, %swap3A_119], %swap3A_122 {strides = array<i32>} : memref<80x128xf32, #tpu.memory_space<vmem>>, vector<1x16xf32>,
      %get3A_123 = arith.index_cast %scan3A_104 : i32 to index
      %get3A_124 = arith.constant 64 : index
      %get3A_125 = tpu.vector_load %arg11[%get3A_123, %get3A_124] {strides = array<i32>} : memref<80x128xf32, #tpu.memory_space<vmem>>, vector<1x16xf32>,
      %get3A_126 = vector.shape_cast %get3A_125 : vector<1x16xf32> to vector<16xf32>
      %add3A_127 = arith.addf %get3A_126, %bitcast_convert_type3A_111 : vector<16xf32>
      %max3A_128 = arith.constant 0.000000e+00 : f32
      %max3A_129 = vector.broadcast %max3A_128 : f32 to vector<16xf32>
      %max3A_130 = arith.maximumf %add3A_127, %max3A_129 : vector<16xf32>
      %swap3A_131 = arith.index_cast %scan3A_104 : i32 to index
      %swap3A_132 = arith.constant 64 : index
      %swap3A_133 = tpu.vector_load %arg11[%swap3A_131, %swap3A_132] {strides = array<i32>} : memref<80x128xf32, #tpu.memory_space<vmem>>, vector<1x16xf32>,
      %swap3A_134 = vector.shape_cast %swap3A_133 : vector<1x16xf32> to vector<16xf32>
      %swap3A_135 = vector.shape_cast %max3A_130 : vector<16xf32> to vector<1x16xf32>
      tpu.vector_store %arg11[%swap3A_131, %swap3A_132], %swap3A_135 {strides = array<i32>} : memref<80x128xf32, #tpu.memory_space<vmem>>, vector<1x16xf32>,
      %get3A_136 = arith.index_cast %scan3A_104 : i32 to index
      %get3A_137 = arith.constant 16 : index
      %get3A_138 = tpu.vector_load %arg13[%get3A_136, %get3A_137] {strides = array<i32>} : memref<80x64xi32, #tpu.memory_space<vmem>>, vector<1x16xi32>,
      %get3A_139 = vector.shape_cast %get3A_138 : vector<1x16xi32> to vector<16xi32>
      %shift_left3A_140 = vector.broadcast %scan3A_73 : i32 to vector<16xi32>
      %shift_left3A_141 = arith.shli %get3A_139, %shift_left3A_140 : vector<16xi32>
      %bitcast_convert_type3A_142 = tpu.bitcast %shift_left3A_141 : vector<16xi32> -> vector<16xf32>
      %and3A_143 = vector.broadcast %scan3A_74 : i32 to vector<16xi32>
      %and3A_144 = arith.andi %get3A_139, %and3A_143 : vector<16xi32>
      %bitcast_convert_type3A_145 = tpu.bitcast %and3A_144 : vector<16xi32> -> vector<16xf32>
      %get3A_146 = arith.index_cast %scan3A_104 : i32 to index
      %get3A_147 = arith.constant 16 : index
      %get3A_148 = tpu.vector_load %arg11[%get3A_146, %get3A_147] {strides = array<i32>} : memref<80x128xf32, #tpu.memory_space<vmem>>, vector<1x16xf32>,
      %get3A_149 = vector.shape_cast %get3A_148 : vector<1x16xf32> to vector<16xf32>
      %add3A_150 = arith.addf %get3A_149, %bitcast_convert_type3A_142 : vector<16xf32>
      %max3A_151 = arith.constant 0.000000e+00 : f32
      %max3A_152 = vector.broadcast %max3A_151 : f32 to vector<16xf32>
      %max3A_153 = arith.maximumf %add3A_150, %max3A_152 : vector<16xf32>
      %swap3A_154 = arith.index_cast %scan3A_104 : i32 to index
      %swap3A_155 = arith.constant 16 : index
      %swap3A_156 = tpu.vector_load %arg11[%swap3A_154, %swap3A_155] {strides = array<i32>} : memref<80x128xf32, #tpu.memory_space<vmem>>, vector<1x16xf32>,
      %swap3A_157 = vector.shape_cast %swap3A_156 : vector<1x16xf32> to vector<16xf32>
      %swap3A_158 = vector.shape_cast %max3A_153 : vector<16xf32> to vector<1x16xf32>
      tpu.vector_store %arg11[%swap3A_154, %swap3A_155], %swap3A_158 {strides = array<i32>} : memref<80x128xf32, #tpu.memory_space<vmem>>, vector<1x16xf32>,
      %get3A_159 = arith.index_cast %scan3A_104 : i32 to index
      %get3A_160 = arith.constant 80 : index
      %get3A_161 = tpu.vector_load %arg11[%get3A_159, %get3A_160] {strides = array<i32>} : memref<80x128xf32, #tpu.memory_space<vmem>>, vector<1x16xf32>,
      %get3A_162 = vector.shape_cast %get3A_161 : vector<1x16xf32> to vector<16xf32>
      %add3A_163 = arith.addf %get3A_162, %bitcast_convert_type3A_145 : vector<16xf32>
      %max3A_164 = arith.constant 0.000000e+00 : f32
      %max3A_165 = vector.broadcast %max3A_164 : f32 to vector<16xf32>
      %max3A_166 = arith.maximumf %add3A_163, %max3A_165 : vector<16xf32>
      %swap3A_167 = arith.index_cast %scan3A_104 : i32 to index
      %swap3A_168 = arith.constant 80 : index
      %swap3A_169 = tpu.vector_load %arg11[%swap3A_167, %swap3A_168] {strides = array<i32>} : memref<80x128xf32, #tpu.memory_space<vmem>>, vector<1x16xf32>,
      %swap3A_170 = vector.shape_cast %swap3A_169 : vector<1x16xf32> to vector<16xf32>
      %swap3A_171 = vector.shape_cast %max3A_166 : vector<16xf32> to vector<1x16xf32>
      tpu.vector_store %arg11[%swap3A_167, %swap3A_168], %swap3A_171 {strides = array<i32>} : memref<80x128xf32, #tpu.memory_space<vmem>>, vector<1x16xf32>,
      %get3A_172 = arith.index_cast %scan3A_104 : i32 to index
      %get3A_173 = arith.constant 32 : index
      %get3A_174 = tpu.vector_load %arg13[%get3A_172, %get3A_173] {strides = array<i32>} : memref<80x64xi32, #tpu.memory_space<vmem>>, vector<1x16xi32>,
      %get3A_175 = vector.shape_cast %get3A_174 : vector<1x16xi32> to vector<16xi32>
      %shift_left3A_176 = vector.broadcast %scan3A_73 : i32 to vector<16xi32>
      %shift_left3A_177 = arith.shli %get3A_175, %shift_left3A_176 : vector<16xi32>
      %bitcast_convert_type3A_178 = tpu.bitcast %shift_left3A_177 : vector<16xi32> -> vector<16xf32>
      %and3A_179 = vector.broadcast %scan3A_74 : i32 to vector<16xi32>
      %and3A_180 = arith.andi %get3A_175, %and3A_179 : vector<16xi32>
      %bitcast_convert_type3A_181 = tpu.bitcast %and3A_180 : vector<16xi32> -> vector<16xf32>
      %get3A_182 = arith.index_cast %scan3A_104 : i32 to index
      %get3A_183 = arith.constant 32 : index
      %get3A_184 = tpu.vector_load %arg11[%get3A_182, %get3A_183] {strides = array<i32>} : memref<80x128xf32, #tpu.memory_space<vmem>>, vector<1x16xf32>,
      %get3A_185 = vector.shape_cast %get3A_184 : vector<1x16xf32> to vector<16xf32>
      %add3A_186 = arith.addf %get3A_185, %bitcast_convert_type3A_178 : vector<16xf32>
      %max3A_187 = arith.constant 0.000000e+00 : f32
      %max3A_188 = vector.broadcast %max3A_187 : f32 to vector<16xf32>
      %max3A_189 = arith.maximumf %add3A_186, %max3A_188 : vector<16xf32>
      %swap3A_190 = arith.index_cast %scan3A_104 : i32 to index
      %swap3A_191 = arith.constant 32 : index
      %swap3A_192 = tpu.vector_load %arg11[%swap3A_190, %swap3A_191] {strides = array<i32>} : memref<80x128xf32, #tpu.memory_space<vmem>>, vector<1x16xf32>,
      %swap3A_193 = vector.shape_cast %swap3A_192 : vector<1x16xf32> to vector<16xf32>
      %swap3A_194 = vector.shape_cast %max3A_189 : vector<16xf32> to vector<1x16xf32>
      tpu.vector_store %arg11[%swap3A_190, %swap3A_191], %swap3A_194 {strides = array<i32>} : memref<80x128xf32, #tpu.memory_space<vmem>>, vector<1x16xf32>,
      %get3A_195 = arith.index_cast %scan3A_104 : i32 to index
      %get3A_196 = arith.constant 96 : index
      %get3A_197 = tpu.vector_load %arg11[%get3A_195, %get3A_196] {strides = array<i32>} : memref<80x128xf32, #tpu.memory_space<vmem>>, vector<1x16xf32>,
      %get3A_198 = vector.shape_cast %get3A_197 : vector<1x16xf32> to vector<16xf32>
      %add3A_199 = arith.addf %get3A_198, %bitcast_convert_type3A_181 : vector<16xf32>
      %max3A_200 = arith.constant 0.000000e+00 : f32
      %max3A_201 = vector.broadcast %max3A_200 : f32 to vector<16xf32>
      %max3A_202 = arith.maximumf %add3A_199, %max3A_201 : vector<16xf32>
      %swap3A_203 = arith.index_cast %scan3A_104 : i32 to index
      %swap3A_204 = arith.constant 96 : index
      %swap3A_205 = tpu.vector_load %arg11[%swap3A_203, %swap3A_204] {strides = array<i32>} : memref<80x128xf32, #tpu.memory_space<vmem>>, vector<1x16xf32>,
      %swap3A_206 = vector.shape_cast %swap3A_205 : vector<1x16xf32> to vector<16xf32>
      %swap3A_207 = vector.shape_cast %max3A_202 : vector<16xf32> to vector<1x16xf32>
      tpu.vector_store %arg11[%swap3A_203, %swap3A_204], %swap3A_207 {strides = array<i32>} : memref<80x128xf32, #tpu.memory_space<vmem>>, vector<1x16xf32>,
      %get3A_208 = arith.index_cast %scan3A_104 : i32 to index
      %get3A_209 = arith.constant 48 : index
      %get3A_210 = tpu.vector_load %arg13[%get3A_208, %get3A_209] {strides = array<i32>} : memref<80x64xi32, #tpu.memory_space<vmem>>, vector<1x16xi32>,
      %get3A_211 = vector.shape_cast %get3A_210 : vector<1x16xi32> to vector<16xi32>
      %shift_left3A_212 = vector.broadcast %scan3A_73 : i32 to vector<16xi32>
      %shift_left3A_213 = arith.shli %get3A_211, %shift_left3A_212 : vector<16xi32>
      %bitcast_convert_type3A_214 = tpu.bitcast %shift_left3A_213 : vector<16xi32> -> vector<16xf32>
      %and3A_215 = vector.broadcast %scan3A_74 : i32 to vector<16xi32>
      %and3A_216 = arith.andi %get3A_211, %and3A_215 : vector<16xi32>
      %bitcast_convert_type3A_217 = tpu.bitcast %and3A_216 : vector<16xi32> -> vector<16xf32>
      %get3A_218 = arith.index_cast %scan3A_104 : i32 to index
      %get3A_219 = arith.constant 48 : index
      %get3A_220 = tpu.vector_load %arg11[%get3A_218, %get3A_219] {strides = array<i32>} : memref<80x128xf32, #tpu.memory_space<vmem>>, vector<1x16xf32>,
      %get3A_221 = vector.shape_cast %get3A_220 : vector<1x16xf32> to vector<16xf32>
      %add3A_222 = arith.addf %get3A_221, %bitcast_convert_type3A_214 : vector<16xf32>
      %max3A_223 = arith.constant 0.000000e+00 : f32
      %max3A_224 = vector.broadcast %max3A_223 : f32 to vector<16xf32>
      %max3A_225 = arith.maximumf %add3A_222, %max3A_224 : vector<16xf32>
      %swap3A_226 = arith.index_cast %scan3A_104 : i32 to index
      %swap3A_227 = arith.constant 48 : index
      %swap3A_228 = tpu.vector_load %arg11[%swap3A_226, %swap3A_227] {strides = array<i32>} : memref<80x128xf32, #tpu.memory_space<vmem>>, vector<1x16xf32>,
      %swap3A_229 = vector.shape_cast %swap3A_228 : vector<1x16xf32> to vector<16xf32>
      %swap3A_230 = vector.shape_cast %max3A_225 : vector<16xf32> to vector<1x16xf32>
      tpu.vector_store %arg11[%swap3A_226, %swap3A_227], %swap3A_230 {strides = array<i32>} : memref<80x128xf32, #tpu.memory_space<vmem>>, vector<1x16xf32>,
      %get3A_231 = arith.index_cast %scan3A_104 : i32 to index
      %get3A_232 = arith.constant 112 : index
      %get3A_233 = tpu.vector_load %arg11[%get3A_231, %get3A_232] {strides = array<i32>} : memref<80x128xf32, #tpu.memory_space<vmem>>, vector<1x16xf32>,
      %get3A_234 = vector.shape_cast %get3A_233 : vector<1x16xf32> to vector<16xf32>
      %add3A_235 = arith.addf %get3A_234, %bitcast_convert_type3A_217 : vector<16xf32>
      %max3A_236 = arith.constant 0.000000e+00 : f32
      %max3A_237 = vector.broadcast %max3A_236 : f32 to vector<16xf32>
      %max3A_238 = arith.maximumf %add3A_235, %max3A_237 : vector<16xf32>
      %swap3A_239 = arith.index_cast %scan3A_104 : i32 to index
      %swap3A_240 = arith.constant 112 : index
      %swap3A_241 = tpu.vector_load %arg11[%swap3A_239, %swap3A_240] {strides = array<i32>} : memref<80x128xf32, #tpu.memory_space<vmem>>, vector<1x16xf32>,
      %swap3A_242 = vector.shape_cast %swap3A_241 : vector<1x16xf32> to vector<16xf32>
      %swap3A_243 = vector.shape_cast %max3A_238 : vector<16xf32> to vector<1x16xf32>
      tpu.vector_store %arg11[%swap3A_239, %swap3A_240], %swap3A_243 {strides = array<i32>} : memref<80x128xf32, #tpu.memory_space<vmem>>, vector<1x16xf32>,
      %scan3A_244 = arith.constant 0 : i32
      scf.yield %scan3A_244 : i32
    }
    %scan3A_81 = arith.constant 80 : i32
    %dma_wait3A_82 = arith.constant 0 : i32
    %dma_wait3A_83 = tpu.memref_slice %arg4[%dma_wait3A_82] : memref<320000xi32, #tpu.memory_space<hbm>> -> memref<80xi32, #tpu.memory_space<hbm>>
    %dma_wait3A_84 = arith.constant 0 : i32
    %dma_wait3A_85 = tpu.memref_slice %arg4[%dma_wait3A_84] : memref<320000xi32, #tpu.memory_space<hbm>> -> memref<80xi32, #tpu.memory_space<hbm>>
    tpu.wait_dma2 semaphore(%arg18 : memref<!tpu.dma_semaphore, #tpu.memory_space<semaphore_mem>>) src(%dma_wait3A_85 : memref<80xi32, #tpu.memory_space<hbm>>) dst(%arg9 : memref<80xi32, #tpu.memory_space<vmem>>)
    %dma_start3A_86 = arith.constant 0 : i32
    %dma_start3A_87 = arith.constant 0 : i32
    %dma_start3A_88 = tpu.memref_slice %arg15[%dma_start3A_86, %dma_start3A_87] : memref<10240x128xf32, #tpu.memory_space<vmem_shared>> -> memref<10240x128xf32, #tpu.memory_space<vmem_shared>>
    tpu.enqueue_indirect_dma source(%arg11 : memref<80x128xf32, #tpu.memory_space<vmem>>) target(%dma_start3A_88 : memref<10240x128xf32, #tpu.memory_space<vmem_shared>>) offsets(%arg9 : memref<80xi32, #tpu.memory_space<vmem>>) semaphore(%arg24 : memref<!tpu.dma_semaphore, #tpu.memory_space<semaphore_mem>>) {add = true}
    %dma_wait3A_89 = arith.constant 0 : i32
    %dma_wait3A_90 = arith.constant 0 : i32
    %dma_wait3A_91 = tpu.memref_slice %arg15[%dma_wait3A_89, %dma_wait3A_90] : memref<10240x128xf32, #tpu.memory_space<vmem_shared>> -> memref<10240x128xf32, #tpu.memory_space<vmem_shared>>
    tpu.wait_indirect_dma semaphore(%arg25 : memref<!tpu.dma_semaphore, #tpu.memory_space<semaphore_mem>>) src(%arg12 : memref<80x128xf32, #tpu.memory_space<vmem>>) dst(%dma_wait3A_91 : memref<10240x128xf32, #tpu.memory_space<vmem_shared>>)
    %dma_wait3A_92 = arith.constant 0 : i32
    %dma_wait3A_93 = arith.constant 0 : i32
    %dma_wait3A_94 = tpu.memref_slice %arg15[%dma_wait3A_92, %dma_wait3A_93] : memref<10240x128xf32, #tpu.memory_space<vmem_shared>> -> memref<10240x128xf32, #tpu.memory_space<vmem_shared>>
    tpu.wait_indirect_dma semaphore(%arg24 : memref<!tpu.dma_semaphore, #tpu.memory_space<semaphore_mem>>) src(%arg11 : memref<80x128xf32, #tpu.memory_space<vmem>>) dst(%dma_wait3A_94 : memref<10240x128xf32, #tpu.memory_space<vmem_shared>>)
    %dma_wait3A_95 = arith.constant 0 : i32
    %dma_wait3A_96 = tpu.memref_slice %arg3[%dma_wait3A_95] : memref<320000xi32, #tpu.memory_space<hbm>> -> memref<80xi32, #tpu.memory_space<hbm>>
    %dma_wait3A_97 = arith.constant 0 : i32
    %dma_wait3A_98 = tpu.memref_slice %arg3[%dma_wait3A_97] : memref<320000xi32, #tpu.memory_space<hbm>> -> memref<80xi32, #tpu.memory_space<hbm>>
    tpu.wait_dma2 semaphore(%arg17 : memref<!tpu.dma_semaphore, #tpu.memory_space<semaphore_mem>>) src(%dma_wait3A_98 : memref<80xi32, #tpu.memory_space<hbm>>) dst(%arg8 : memref<80xi32, #tpu.memory_space<vmem>>)
    %dma_wait3A_99 = arith.constant 0 : i32
    %dma_wait3A_100 = tpu.memref_slice %arg4[%dma_wait3A_99] : memref<320000xi32, #tpu.memory_space<hbm>> -> memref<80xi32, #tpu.memory_space<hbm>>
    %dma_wait3A_101 = arith.constant 0 : i32
    %dma_wait3A_102 = tpu.memref_slice %arg4[%dma_wait3A_101] : memref<320000xi32, #tpu.memory_space<hbm>> -> memref<80xi32, #tpu.memory_space<hbm>>
    tpu.wait_dma2 semaphore(%arg19 : memref<!tpu.dma_semaphore, #tpu.memory_space<semaphore_mem>>) src(%dma_wait3A_102 : memref<80xi32, #tpu.memory_space<hbm>>) dst(%arg10 : memref<80xi32, #tpu.memory_space<vmem>>)
    %barrier3A_103 = arith.constant 0 : index
    tpu.barrier barrier_id(%barrier3A_103)
    "tpu.region"() ({
      %run_scoped3A = tpu.sem_alloc : memref<!tpu.dma_semaphore, #tpu.memory_space<semaphore_mem>>
      %dma_start3A_104 = arith.constant 0 : i32
      %dma_start3A_105 = tpu.memref_slice %arg6[%arg0, %mul3A_11, %dma_start3A_104] : memref<2x10240x128xf32, #tpu.memory_space<hbm>> -> memref<1x640x128xf32, #tpu.memory_space<hbm>>
      %dma_start3A_106 = tpu.memref_squeeze %dma_start3A_105 : memref<1x640x128xf32, #tpu.memory_space<hbm>> -> memref<640x128xf32, #tpu.memory_space<hbm>>
      %dma_start3A_107 = arith.constant 0 : i32
      %dma_start3A_108 = tpu.memref_slice %arg15[%mul3A_11, %dma_start3A_107] : memref<10240x128xf32, #tpu.memory_space<vmem_shared>> -> memref<640x128xf32, #tpu.memory_space<vmem_shared>>
      tpu.enqueue_dma source(%dma_start3A_108 : memref<640x128xf32, #tpu.memory_space<vmem_shared>>) target(%dma_start3A_106 : memref<640x128xf32, #tpu.memory_space<hbm>>) target_semaphore(%run_scoped3A : memref<!tpu.dma_semaphore, #tpu.memory_space<semaphore_mem>>)
      %dma_wait3A_109 = arith.constant 0 : i32
      %dma_wait3A_110 = tpu.memref_slice %arg6[%arg0, %mul3A_11, %dma_wait3A_109] : memref<2x10240x128xf32, #tpu.memory_space<hbm>> -> memref<1x640x128xf32, #tpu.memory_space<hbm>>
      %dma_wait3A_111 = tpu.memref_squeeze %dma_wait3A_110 : memref<1x640x128xf32, #tpu.memory_space<hbm>> -> memref<640x128xf32, #tpu.memory_space<hbm>>
      %dma_wait3A_112 = arith.constant 0 : i32
      %dma_wait3A_113 = tpu.memref_slice %arg15[%mul3A_11, %dma_wait3A_112] : memref<10240x128xf32, #tpu.memory_space<vmem_shared>> -> memref<640x128xf32, #tpu.memory_space<vmem_shared>>
      tpu.wait_dma2 semaphore(%run_scoped3A : memref<!tpu.dma_semaphore, #tpu.memory_space<semaphore_mem>>) src(%dma_wait3A_113 : memref<640x128xf32, #tpu.memory_space<vmem_shared>>) dst(%dma_wait3A_111 : memref<640x128xf32, #tpu.memory_space<hbm>>)
      tpu.yield
    }) : () -> ()
    return
  }
}

module attributes {stable_mosaic.version = 14 : i64} {
  func.func @_prep_body(%arg0: i32, %arg1: memref<2000x128xf32, #tpu.memory_space<vmem>>, %arg2: memref<128x128xf32, #tpu.memory_space<vmem>>, %arg3: memref<1x128xf32, #tpu.memory_space<vmem>>, %arg4: memref<2000x128xf32, #tpu.memory_space<vmem>>) attributes {dimension_semantics = [#tpu.dimension_semantics<arbitrary>], iteration_bounds = array<i64: 5>, scalar_prefetch = 0 : i64, scratch_operands = 0 : i64, tpu.core_type = #tpu.core_type<tc>, window_params = [{transform_indices = @transform_0, window_bounds = array<i64: 2000, 128>}, {pipeline_mode = #tpu.pipeline_mode<synchronous>, transform_indices = @transform_1, window_bounds = array<i64: 128, 128>}, {pipeline_mode = #tpu.pipeline_mode<synchronous>, transform_indices = @transform_2, window_bounds = array<i64: 1, 128>}, {transform_indices = @transform_3, window_bounds = array<i64: 2000, 128>}]} {
    %get3A = arith.constant 0 : index
    %get3A_0 = arith.constant 0 : index
    %get3A_1 = vector.load %arg1[%get3A, %get3A_0] : memref<2000x128xf32, #tpu.memory_space<vmem>>, vector<2000x128xf32>
    %get3A_2 = arith.constant 0 : index
    %get3A_3 = arith.constant 0 : index
    %get3A_4 = vector.load %arg2[%get3A_2, %get3A_3] : memref<128x128xf32, #tpu.memory_space<vmem>>, vector<128x128xf32>
    %dot_general3A = arith.constant dense<0.000000e+00> : vector<2000x128xf32>
    %dot_general3A_5 = tpu.matmul %get3A_1, %get3A_4, %dot_general3A {dimension_numbers = #tpu.dot_dimension_numbers<[1], [0], [0], [1], [0, 0, 1, 1], [], []>, transpose_lhs_hint = false} : vector<2000x128xf32>, vector<128x128xf32>, vector<2000x128xf32> -> vector<2000x128xf32>
    %get3A_6 = arith.constant 0 : index
    %get3A_7 = arith.constant 0 : index
    %get3A_8 = vector.load %arg3[%get3A_6, %get3A_7] : memref<1x128xf32, #tpu.memory_space<vmem>>, vector<1x128xf32>
    %add3A = vector.broadcast %get3A_8 : vector<1x128xf32> to vector<2000x128xf32>
    %add3A_9 = arith.addf %dot_general3A_5, %add3A : vector<2000x128xf32>
    %ge3A = arith.constant 0.000000e+00 : f32
    %ge3A_10 = vector.broadcast %ge3A : f32 to vector<2000x128xf32>
    %ge3A_11 = arith.cmpf oge, %add3A_9, %ge3A_10 : vector<2000x128xf32>
    %mul3A = arith.constant 0.00999999977 : f32
    %mul3A_12 = vector.broadcast %mul3A : f32 to vector<2000x128xf32>
    %mul3A_13 = arith.mulf %mul3A_12, %add3A_9 : vector<2000x128xf32>
    %select_n3A = arith.select %ge3A_11, %add3A_9, %mul3A_13 : vector<2000x128xi1>, vector<2000x128xf32>
    %swap3A = arith.constant 0 : index
    %swap3A_14 = arith.constant 0 : index
    %swap3A_15 = vector.load %arg4[%swap3A, %swap3A_14] : memref<2000x128xf32, #tpu.memory_space<vmem>>, vector<2000x128xf32>
    tpu.vector_store %arg4[%swap3A, %swap3A_14], %select_n3A {strides = array<i32>} : memref<2000x128xf32, #tpu.memory_space<vmem>>, vector<2000x128xf32>,
    return
  }
  func.func @transform_0(%arg0: i32) -> (i32, i32) {
    %c0_i32 = arith.constant 0 : i32
    %c0_i32_0 = arith.constant 0 : i32
    return %arg0, %c0_i32 : i32, i32
  }
  func.func @transform_1(%arg0: i32) -> (i32, i32) {
    %c0_i32 = arith.constant 0 : i32
    %c0_i32_0 = arith.constant 0 : i32
    %c0_i32_1 = arith.constant 0 : i32
    return %c0_i32, %c0_i32_0 : i32, i32
  }
  func.func @transform_2(%arg0: i32) -> (i32, i32) {
    %c0_i32 = arith.constant 0 : i32
    %c0_i32_0 = arith.constant 0 : i32
    %c0_i32_1 = arith.constant 0 : i32
    return %c0_i32, %c0_i32_0 : i32, i32
  }
  func.func @transform_3(%arg0: i32) -> (i32, i32) {
    %c0_i32 = arith.constant 0 : i32
    %c0_i32_0 = arith.constant 0 : i32
    return %arg0, %c0_i32 : i32, i32
  }
}

module attributes {stable_mosaic.version = 14 : i64} {
  func.func @_edge_body(%arg0: i32, %arg1: memref<16x16000xf32, #tpu.memory_space<vmem>>, %arg2: memref<16x128xf32, #tpu.memory_space<vmem>>, %arg3: memref<1x128xf32, #tpu.memory_space<vmem>>, %arg4: memref<16000x64xi32, #tpu.memory_space<vmem>>) attributes {dimension_semantics = [#tpu.dimension_semantics<arbitrary>], iteration_bounds = array<i64: 20>, scalar_prefetch = 0 : i64, scratch_operands = 0 : i64, tpu.core_type = #tpu.core_type<tc>, window_params = [{transform_indices = @transform_0, window_bounds = array<i64: 16, 16000>}, {pipeline_mode = #tpu.pipeline_mode<synchronous>, transform_indices = @transform_1, window_bounds = array<i64: 16, 128>}, {pipeline_mode = #tpu.pipeline_mode<synchronous>, transform_indices = @transform_2, window_bounds = array<i64: 1, 128>}, {transform_indices = @transform_3, window_bounds = array<i64: 16000, 64>}]} {
    %get3A = arith.constant 0 : index
    %get3A_0 = arith.constant 0 : index
    %get3A_1 = vector.load %arg1[%get3A, %get3A_0] : memref<16x16000xf32, #tpu.memory_space<vmem>>, vector<16x16000xf32>
    %get3A_2 = arith.constant 0 : index
    %get3A_3 = arith.constant 0 : index
    %get3A_4 = vector.load %arg2[%get3A_2, %get3A_3] : memref<16x128xf32, #tpu.memory_space<vmem>>, vector<16x128xf32>
    %dot_general3A = arith.constant dense<0.000000e+00> : vector<16000x128xf32>
    %dot_general3A_5 = tpu.matmul %get3A_1, %get3A_4, %dot_general3A {dimension_numbers = #tpu.dot_dimension_numbers<[0], [0], [1], [1], [0, 1, 1, 1], [], []>, transpose_lhs_hint = false} : vector<16x16000xf32>, vector<16x128xf32>, vector<16000x128xf32> -> vector<16000x128xf32>
    %get3A_6 = arith.constant 0 : index
    %get3A_7 = arith.constant 0 : index
    %get3A_8 = vector.load %arg3[%get3A_6, %get3A_7] : memref<1x128xf32, #tpu.memory_space<vmem>>, vector<1x128xf32>
    %add3A = vector.broadcast %get3A_8 : vector<1x128xf32> to vector<16000x128xf32>
    %add3A_9 = arith.addf %dot_general3A_5, %add3A : vector<16000x128xf32>
    %bitcast_convert_type3A = tpu.bitcast %add3A_9 : vector<16000x128xf32> -> vector<16000x128xi32>
    %add3A_10 = arith.constant 32768 : i32
    %add3A_11 = vector.broadcast %add3A_10 : i32 to vector<16000x128xi32>
    %add3A_12 = arith.addi %bitcast_convert_type3A, %add3A_11 : vector<16000x128xi32>
    %slice3A = vector.extract_strided_slice %add3A_12 {offsets = [0, 0], sizes = [16000, 64], strides = [1, 1]} : vector<16000x128xi32> to vector<16000x64xi32>
    %shift_right_logical3A = arith.constant 16 : i32
    %shift_right_logical3A_13 = vector.broadcast %shift_right_logical3A : i32 to vector<16000x64xi32>
    %shift_right_logical3A_14 = arith.shrui %slice3A, %shift_right_logical3A_13 : vector<16000x64xi32>
    %slice3A_15 = vector.extract_strided_slice %add3A_12 {offsets = [0, 64], sizes = [16000, 64], strides = [1, 1]} : vector<16000x128xi32> to vector<16000x64xi32>
    %and3A = arith.constant -65536 : i32
    %and3A_16 = vector.broadcast %and3A : i32 to vector<16000x64xi32>
    %and3A_17 = arith.andi %slice3A_15, %and3A_16 : vector<16000x64xi32>
    %or3A = arith.ori %shift_right_logical3A_14, %and3A_17 : vector<16000x64xi32>
    %swap3A = arith.constant 0 : index
    %swap3A_18 = arith.constant 0 : index
    %swap3A_19 = vector.load %arg4[%swap3A, %swap3A_18] : memref<16000x64xi32, #tpu.memory_space<vmem>>, vector<16000x64xi32>
    tpu.vector_store %arg4[%swap3A, %swap3A_18], %or3A {strides = array<i32>} : memref<16000x64xi32, #tpu.memory_space<vmem>>, vector<16000x64xi32>,
    return
  }
  func.func @transform_0(%arg0: i32) -> (i32, i32) {
    %c0_i32 = arith.constant 0 : i32
    %c0_i32_0 = arith.constant 0 : i32
    return %c0_i32, %arg0 : i32, i32
  }
  func.func @transform_1(%arg0: i32) -> (i32, i32) {
    %c0_i32 = arith.constant 0 : i32
    %c0_i32_0 = arith.constant 0 : i32
    %c0_i32_1 = arith.constant 0 : i32
    return %c0_i32, %c0_i32_0 : i32, i32
  }
  func.func @transform_2(%arg0: i32) -> (i32, i32) {
    %c0_i32 = arith.constant 0 : i32
    %c0_i32_0 = arith.constant 0 : i32
    %c0_i32_1 = arith.constant 0 : i32
    return %c0_i32, %c0_i32_0 : i32, i32
  }
  func.func @transform_3(%arg0: i32) -> (i32, i32) {
    %c0_i32 = arith.constant 0 : i32
    %c0_i32_0 = arith.constant 0 : i32
    return %arg0, %c0_i32 : i32, i32
  }
}

module attributes {stable_mosaic.version = 14 : i64} {
  func.func @_post_body(%arg0: i32, %arg1: memref<1x2000x128xf32, #tpu.memory_space<vmem>>, %arg2: memref<1x2000x128xf32, #tpu.memory_space<vmem>>, %arg3: memref<2000x128xf32, #tpu.memory_space<vmem>>, %arg4: memref<128x128xf32, #tpu.memory_space<vmem>>, %arg5: memref<1x128xf32, #tpu.memory_space<vmem>>, %arg6: memref<128x128xf32, #tpu.memory_space<vmem>>, %arg7: memref<1x128xf32, #tpu.memory_space<vmem>>, %arg8: memref<128x128xf32, #tpu.memory_space<vmem>>, %arg9: memref<128x128xf32, #tpu.memory_space<vmem>>, %arg10: memref<1x128xf32, #tpu.memory_space<vmem>>, %arg11: memref<2000x128xf32, #tpu.memory_space<vmem>>) attributes {dimension_semantics = [#tpu.dimension_semantics<arbitrary>], iteration_bounds = array<i64: 5>, scalar_prefetch = 0 : i64, scratch_operands = 0 : i64, tpu.core_type = #tpu.core_type<tc>, window_params = [{transform_indices = @transform_0, window_bounds = array<i64: 1, 2000, 128>}, {transform_indices = @transform_1, window_bounds = array<i64: 1, 2000, 128>}, {transform_indices = @transform_2, window_bounds = array<i64: 2000, 128>}, {pipeline_mode = #tpu.pipeline_mode<synchronous>, transform_indices = @transform_3, window_bounds = array<i64: 128, 128>}, {pipeline_mode = #tpu.pipeline_mode<synchronous>, transform_indices = @transform_4, window_bounds = array<i64: 1, 128>}, {pipeline_mode = #tpu.pipeline_mode<synchronous>, transform_indices = @transform_5, window_bounds = array<i64: 128, 128>}, {pipeline_mode = #tpu.pipeline_mode<synchronous>, transform_indices = @transform_6, window_bounds = array<i64: 1, 128>}, {pipeline_mode = #tpu.pipeline_mode<synchronous>, transform_indices = @transform_7, window_bounds = array<i64: 128, 128>}, {pipeline_mode = #tpu.pipeline_mode<synchronous>, transform_indices = @transform_8, window_bounds = array<i64: 128, 128>}, {pipeline_mode = #tpu.pipeline_mode<synchronous>, transform_indices = @transform_9, window_bounds = array<i64: 1, 128>}, {transform_indices = @transform_10, window_bounds = array<i64: 2000, 128>}]} {
    %get3A = arith.constant 0 : index
    %get3A_0 = arith.constant 0 : index
    %get3A_1 = vector.load %arg3[%get3A, %get3A_0] : memref<2000x128xf32, #tpu.memory_space<vmem>>, vector<2000x128xf32>
    %get3A_2 = arith.constant 0 : index
    %get3A_3 = arith.constant 0 : index
    %get3A_4 = arith.constant 0 : index
    %get3A_5 = vector.load %arg1[%get3A_2, %get3A_3, %get3A_4] : memref<1x2000x128xf32, #tpu.memory_space<vmem>>, vector<1x2000x128xf32>
    %get3A_6 = vector.shape_cast %get3A_5 : vector<1x2000x128xf32> to vector<2000x128xf32>
    %get3A_7 = arith.constant 0 : index
    %get3A_8 = arith.constant 0 : index
    %get3A_9 = arith.constant 0 : index
    %get3A_10 = vector.load %arg2[%get3A_7, %get3A_8, %get3A_9] : memref<1x2000x128xf32, #tpu.memory_space<vmem>>, vector<1x2000x128xf32>
    %get3A_11 = vector.shape_cast %get3A_10 : vector<1x2000x128xf32> to vector<2000x128xf32>
    %add3A = arith.addf %get3A_6, %get3A_11 : vector<2000x128xf32>
    %add3A_12 = arith.addf %add3A, %get3A_1 : vector<2000x128xf32>
    %get3A_13 = arith.constant 0 : index
    %get3A_14 = arith.constant 0 : index
    %get3A_15 = vector.load %arg4[%get3A_13, %get3A_14] : memref<128x128xf32, #tpu.memory_space<vmem>>, vector<128x128xf32>
    %dot_general3A = arith.constant dense<0.000000e+00> : vector<2000x128xf32>
    %dot_general3A_16 = tpu.matmul %add3A_12, %get3A_15, %dot_general3A {dimension_numbers = #tpu.dot_dimension_numbers<[1], [0], [0], [1], [0, 0, 1, 1], [], []>, transpose_lhs_hint = false} : vector<2000x128xf32>, vector<128x128xf32>, vector<2000x128xf32> -> vector<2000x128xf32>
    %get3A_17 = arith.constant 0 : index
    %get3A_18 = arith.constant 0 : index
    %get3A_19 = vector.load %arg5[%get3A_17, %get3A_18] : memref<1x128xf32, #tpu.memory_space<vmem>>, vector<1x128xf32>
    %add3A_20 = vector.broadcast %get3A_19 : vector<1x128xf32> to vector<2000x128xf32>
    %add3A_21 = arith.addf %dot_general3A_16, %add3A_20 : vector<2000x128xf32>
    %ge3A = arith.constant 0.000000e+00 : f32
    %ge3A_22 = vector.broadcast %ge3A : f32 to vector<2000x128xf32>
    %ge3A_23 = arith.cmpf oge, %add3A_21, %ge3A_22 : vector<2000x128xf32>
    %mul3A = arith.constant 0.00999999977 : f32
    %mul3A_24 = vector.broadcast %mul3A : f32 to vector<2000x128xf32>
    %mul3A_25 = arith.mulf %mul3A_24, %add3A_21 : vector<2000x128xf32>
    %select_n3A = arith.select %ge3A_23, %add3A_21, %mul3A_25 : vector<2000x128xi1>, vector<2000x128xf32>
    %get3A_26 = arith.constant 0 : index
    %get3A_27 = arith.constant 0 : index
    %get3A_28 = vector.load %arg6[%get3A_26, %get3A_27] : memref<128x128xf32, #tpu.memory_space<vmem>>, vector<128x128xf32>
    %dot_general3A_29 = arith.constant dense<0.000000e+00> : vector<2000x128xf32>
    %dot_general3A_30 = tpu.matmul %select_n3A, %get3A_28, %dot_general3A_29 {dimension_numbers = #tpu.dot_dimension_numbers<[1], [0], [0], [1], [0, 0, 1, 1], [], []>, transpose_lhs_hint = false} : vector<2000x128xf32>, vector<128x128xf32>, vector<2000x128xf32> -> vector<2000x128xf32>
    %get3A_31 = arith.constant 0 : index
    %get3A_32 = arith.constant 0 : index
    %get3A_33 = vector.load %arg7[%get3A_31, %get3A_32] : memref<1x128xf32, #tpu.memory_space<vmem>>, vector<1x128xf32>
    %add3A_34 = vector.broadcast %get3A_33 : vector<1x128xf32> to vector<2000x128xf32>
    %add3A_35 = arith.addf %dot_general3A_30, %add3A_34 : vector<2000x128xf32>
    %tanh3A = math.tanh %add3A_35 : vector<2000x128xf32>
    %get3A_36 = arith.constant 0 : index
    %get3A_37 = arith.constant 0 : index
    %get3A_38 = vector.load %arg8[%get3A_36, %get3A_37] : memref<128x128xf32, #tpu.memory_space<vmem>>, vector<128x128xf32>
    %dot_general3A_39 = arith.constant dense<0.000000e+00> : vector<2000x128xf32>
    %dot_general3A_40 = tpu.matmul %tanh3A, %get3A_38, %dot_general3A_39 {dimension_numbers = #tpu.dot_dimension_numbers<[1], [0], [0], [1], [0, 0, 1, 1], [], []>, transpose_lhs_hint = false} : vector<2000x128xf32>, vector<128x128xf32>, vector<2000x128xf32> -> vector<2000x128xf32>
    %get3A_41 = arith.constant 0 : index
    %get3A_42 = arith.constant 0 : index
    %get3A_43 = vector.load %arg9[%get3A_41, %get3A_42] : memref<128x128xf32, #tpu.memory_space<vmem>>, vector<128x128xf32>
    %dot_general3A_44 = arith.constant dense<0.000000e+00> : vector<2000x128xf32>
    %dot_general3A_45 = tpu.matmul %get3A_1, %get3A_43, %dot_general3A_44 {dimension_numbers = #tpu.dot_dimension_numbers<[1], [0], [0], [1], [0, 0, 1, 1], [], []>, transpose_lhs_hint = false} : vector<2000x128xf32>, vector<128x128xf32>, vector<2000x128xf32> -> vector<2000x128xf32>
    %add3A_46 = arith.addf %dot_general3A_40, %dot_general3A_45 : vector<2000x128xf32>
    %get3A_47 = arith.constant 0 : index
    %get3A_48 = arith.constant 0 : index
    %get3A_49 = vector.load %arg10[%get3A_47, %get3A_48] : memref<1x128xf32, #tpu.memory_space<vmem>>, vector<1x128xf32>
    %add3A_50 = vector.broadcast %get3A_49 : vector<1x128xf32> to vector<2000x128xf32>
    %add3A_51 = arith.addf %add3A_46, %add3A_50 : vector<2000x128xf32>
    %tanh3A_52 = math.tanh %add3A_51 : vector<2000x128xf32>
    %swap3A = arith.constant 0 : index
    %swap3A_53 = arith.constant 0 : index
    %swap3A_54 = vector.load %arg11[%swap3A, %swap3A_53] : memref<2000x128xf32, #tpu.memory_space<vmem>>, vector<2000x128xf32>
    tpu.vector_store %arg11[%swap3A, %swap3A_53], %tanh3A_52 {strides = array<i32>} : memref<2000x128xf32, #tpu.memory_space<vmem>>, vector<2000x128xf32>,
    return
  }
  func.func @transform_0(%arg0: i32) -> (i32, i32, i32) {
    %c0_i32 = arith.constant 0 : i32
    %c0_i32_0 = arith.constant 0 : i32
    %c0_i32_1 = arith.constant 0 : i32
    return %c0_i32, %arg0, %c0_i32_0 : i32, i32, i32
  }
  func.func @transform_1(%arg0: i32) -> (i32, i32, i32) {
    %c1_i32 = arith.constant 1 : i32
    %c0_i32 = arith.constant 0 : i32
    %c0_i32_0 = arith.constant 0 : i32
    return %c1_i32, %arg0, %c0_i32 : i32, i32, i32
  }
  func.func @transform_2(%arg0: i32) -> (i32, i32) {
    %c0_i32 = arith.constant 0 : i32
    %c0_i32_0 = arith.constant 0 : i32
    return %arg0, %c0_i32 : i32, i32
  }
  func.func @transform_3(%arg0: i32) -> (i32, i32) {
    %c0_i32 = arith.constant 0 : i32
    %c0_i32_0 = arith.constant 0 : i32
    %c0_i32_1 = arith.constant 0 : i32
    return %c0_i32, %c0_i32_0 : i32, i32
  }
  func.func @transform_4(%arg0: i32) -> (i32, i32) {
    %c0_i32 = arith.constant 0 : i32
    %c0_i32_0 = arith.constant 0 : i32
    %c0_i32_1 = arith.constant 0 : i32
    return %c0_i32, %c0_i32_0 : i32, i32
  }
  func.func @transform_5(%arg0: i32) -> (i32, i32) {
    %c0_i32 = arith.constant 0 : i32
    %c0_i32_0 = arith.constant 0 : i32
    %c0_i32_1 = arith.constant 0 : i32
    return %c0_i32, %c0_i32_0 : i32, i32
  }
  func.func @transform_6(%arg0: i32) -> (i32, i32) {
    %c0_i32 = arith.constant 0 : i32
    %c0_i32_0 = arith.constant 0 : i32
    %c0_i32_1 = arith.constant 0 : i32
    return %c0_i32, %c0_i32_0 : i32, i32
  }
  func.func @transform_7(%arg0: i32) -> (i32, i32) {
    %c0_i32 = arith.constant 0 : i32
    %c0_i32_0 = arith.constant 0 : i32
    %c0_i32_1 = arith.constant 0 : i32
    return %c0_i32, %c0_i32_0 : i32, i32
  }
  func.func @transform_8(%arg0: i32) -> (i32, i32) {
    %c0_i32 = arith.constant 0 : i32
    %c0_i32_0 = arith.constant 0 : i32
    %c0_i32_1 = arith.constant 0 : i32
    return %c0_i32, %c0_i32_0 : i32, i32
  }
  func.func @transform_9(%arg0: i32) -> (i32, i32) {
    %c0_i32 = arith.constant 0 : i32
    %c0_i32_0 = arith.constant 0 : i32
    %c0_i32_1 = arith.constant 0 : i32
    return %c0_i32, %c0_i32_0 : i32, i32
  }
  func.func @transform_10(%arg0: i32) -> (i32, i32) {
    %c0_i32 = arith.constant 0 : i32
    %c0_i32_0 = arith.constant 0 : i32
    return %arg0, %c0_i32 : i32, i32
  }
}

</mosaic_0001>

<sc_bundles>
// kernel: kernel.6.cloned.1.call-start
scs
__scs_entry_jumppad:
0x0: {  	(pc) =	sbr.rel $0x88, $3  }
0x1: {  	(tag) =	ssettag $0x0;
	lr =	simm.s32 $0x1  }
0x2: {  	[smem:$0x3F94] =	sst lr;
	_ =	strace $0xD0000000  }
0x3: {  	_ = 	snop  }
0x4: {  	_ = 	snop  }
0x5: {  	_ = 	snop  }
0x6: {  	_ = 	snop  }
0x7: {  	_ = 	snop  }
__scs_overlays_trampoline_lowered:
0x8: {  	[smem:$0x3FA3] =	sst s0  }
0x9: {  	[smem:$0x3FA4] =	sst s1  }
0xa: {  	[smem:$0x3FA5] =	sst s2  }
0xb: {  	[smem:$0x3FA6] =	sst s3  }
0xc: {  	[smem:$0x3FA7] =	sst s4  }
0xd: {  	[smem:$0x3FA8] =	sst s5  }
0xe: {  	[smem:$0x3FA9] =	sst s6  }
0xf: {  	[smem:$0x3FAA] =	sst s7  }
0x10: {  	[smem:$0x3FAB] =	sst s8  }
0x11: {  	[smem:$0x3FAC] =	sst s9;
	s0 =	simm.s32 @!p0 $0x0  }
0x12: {  	s1 =	sld [smem:$0x3F92];
	s0 =	simm.s32 @p0 $0x1  }
0x13: {  	[smem:$0x3FAD] =	sst s0;
	s0 =	simm.s32 @!p1 $0x0  }
0x14: {  	s2 =	sld [smem:$0x3F91];
	s0 =	simm.s32 @p1 $0x1  }
0x15: {  	[smem:$0x3FAE] =	sst s0;
	s0 =	simm.s32 @!p2 $0x0  }
0x16: {  	s3 =	sld [smem:$0x3FDB];
	s0 =	simm.s32 @p2 $0x1  }
0x17: {  	s4 =	simm.s32 $0x1BF5;
	[smem:$0x3FB0] =	sst s0  }
0x18: {  	s0 =	sld [smem:$0x3F93];
	_ =	swait.ge [sflag:s4], $0x0  }
0x19: {  	s7 =	sld [smem:$0x3F94]  }
0x1a: {  	s8 =	sadd.s32 $0xFFFFE003, lr  }
0x1b: {  	s9 =	sadd.s32 $0xFFFFFEF7, lr;
	s5 =	simm.s32 $0xFFFFFFFF;
	p2 =	slt.u32 s8, $0xFFFFF086  }
0x1c: {  	p1 =	slt.u32 s9, $0xF7A;
	s5 =	simm.s32 @!p2 $0x0  }
0x1d: {  	s5 =	simm.s32 @p1 $0x1;
	p0 =	seq.s32 s7, s2  }
0x1e: {  	s7 =	smul.u32 @!p0 $0xF7A, s2;
	p2 =	seq.s32 @!p0 s5, $0x0  }
0x1f: {  	s9 =	smul.u32 $0xF7A, s1;
	s8 =	simm.s32 @!p0 $0x1BF5;
	p2 =	por !p2, p0  }
0x20: {  	[sflag:s8] =	ssyncset.s32 @!p0 $0xFFFFF086;
	s6 =	sadd.s32 @!p0 s3, s7;
	s7 =	simm.s32 @!p0 $0x108  }
0x21: {  	s3 =	sadd.s32 s3, s9;
	s6 =	sadd.s32 @!p0 $0x88, s6;
	s7 =	simm.s32 @p2 $0x1082  }
0x22: {  	[simem:s7], [sflag:s8] =	dma.local @!p0 [hbm:s6], $0xF7A  }
0x23: {  	s9 =	sor.u32 $0xD0000000, s2;
	s6 =	simm.s32 $0x108;
	_ =	swait.ge @!p0 [sflag:s8], $0x0  }
0x24: {  	s3 =	sadd.s32 $0x88, s3;
	s6 =	simm.s32 @!p1 $0x1082;
	[sflag:s4] =	ssyncset.s32 $0xFFFFF086  }
0x25: {  	[simem:s6], [sflag:s4] =	dma.local [hbm:s3], $0xF7A  }
0x26: {  	[smem:$0x3F94] =	sst s1;
	(tag) =	ssettag s2;
	_ =	strace s9  }
0x27: {  	s1 =	sld [smem:$0x3FA4]  }
0x28: {  	s2 =	sld [smem:$0x3FA5]  }
0x29: {  	s4 =	sld [smem:$0x3FA7]  }
0x2a: {  	p0 =	seq.s32 s5, $0x0;
	s5 =	sld [smem:$0x3FA8]  }
0x2b: {  	s6 =	sld [smem:$0x3FA9]  }
0x2c: {  	s7 =	sld [smem:$0x3FAA]  }
0x2d: {  	s3 =	simm.s32 $0x108;
	s8 =	sld [smem:$0x3FAB]  }
0x2e: {  	s3 =	simm.s32 @!p0 $0x1082;
	s9 =	sld [smem:$0x3FAC]  }
0x2f: {  	lr =	sadd.s32 s0, s3;
	s0 =	sld [smem:$0x3FA3]  }
0x30: {  	s3 =	sld [smem:$0x3FA6]  }
0x31: {  	[smem:$0x3FAF] =	sst s10  }
0x32: {  	s10 =	sld [smem:$0x3FAD];
	_ =	sdelay $0x3  }
0x33: {  	p0 =	seq.s32 s10, $0x1;
	s10 =	sld [smem:$0x3FAF];
	_ =	sdelay $0x3  }
0x34: {  	[smem:$0x3FAF] =	sst s10  }
0x35: {  	s10 =	sld [smem:$0x3FAE];
	_ =	sdelay $0x3  }
0x36: {  	p1 =	seq.s32 s10, $0x1;
	s10 =	sld [smem:$0x3FAF];
	_ =	sdelay $0x3  }
0x37: {  	[smem:$0x3FAF] =	sst s10  }
0x38: {  	s10 =	sld [smem:$0x3FB0]  }
0x39: {  	_ = 	snop;
	(pc) =	sbr.ind lr, $3  }
0x3a: {  	_ = 	snop  }
0x3b: {  	_ = 	snop  }
0x3c: {  	p2 =	seq.s32 s10, $0x1;
	s10 =	sld [smem:$0x3FAF]  }
0x3d: {  	_ =	shalt  }
0x3e: {  	_ =	shalt  }
0x3f: {  	_ =	shalt  }
0x40: {  	_ =	shalt  }
0x41: {  	_ =	shalt  }
0x42: {  	_ =	shalt  }
0x43: {  	_ =	shalt  }
0x44: {  	_ =	shalt  }
0x45: {  	_ =	shalt  }
0x46: {  	_ =	shalt  }
0x47: {  	_ =	shalt  }
0x48: {  	_ =	shalt  }
0x49: {  	_ =	shalt  }
0x4a: {  	_ =	shalt  }
0x4b: {  	_ =	shalt  }
0x4c: {  	_ =	shalt  }
0x4d: {  	_ =	shalt  }
0x4e: {  	_ =	shalt  }
0x4f: {  	_ =	shalt  }
0x50: {  	_ =	shalt  }
0x51: {  	_ =	shalt  }
0x52: {  	_ =	shalt  }
0x53: {  	_ =	shalt  }
0x54: {  	_ =	shalt  }
0x55: {  	_ =	shalt  }
0x56: {  	_ =	shalt  }
0x57: {  	_ =	shalt  }
0x58: {  	_ =	shalt  }
0x59: {  	_ =	shalt  }
0x5a: {  	_ =	shalt  }
0x5b: {  	_ =	shalt  }
0x5c: {  	_ =	shalt  }
0x5d: {  	_ =	shalt  }
0x5e: {  	_ =	shalt  }
0x5f: {  	_ =	shalt  }
0x60: {  	_ =	shalt  }
0x61: {  	_ =	shalt  }
0x62: {  	_ =	shalt  }
0x63: {  	_ =	shalt  }
0x64: {  	_ =	shalt  }
0x65: {  	_ =	shalt  }
0x66: {  	_ =	shalt  }
0x67: {  	_ =	shalt  }
0x68: {  	_ =	shalt  }
0x69: {  	_ =	shalt  }
0x6a: {  	_ =	shalt  }
0x6b: {  	_ =	shalt  }
0x6c: {  	_ =	shalt  }
0x6d: {  	_ =	shalt  }
0x6e: {  	_ =	shalt  }
0x6f: {  	_ =	shalt  }
0x70: {  	_ =	shalt  }
0x71: {  	_ =	shalt  }
0x72: {  	_ =	shalt  }
0x73: {  	_ =	shalt  }
0x74: {  	_ =	shalt  }
0x75: {  	_ =	shalt  }
0x76: {  	_ =	shalt  }
0x77: {  	_ =	shalt  }
0x78: {  	_ =	shalt  }
0x79: {  	_ =	shalt  }
0x7a: {  	_ =	shalt  }
0x7b: {  	_ =	shalt  }
0x7c: {  	_ =	shalt  }
0x7d: {  	_ =	shalt  }
0x7e: {  	_ =	shalt  }
0x7f: {  	_ =	shalt  }
0x80: {  	_ =	shalt  }
0x81: {  	_ =	shalt  }
0x82: {  	_ =	shalt  }
0x83: {  	_ =	shalt  }
0x84: {  	_ =	shalt  }
0x85: {  	_ =	shalt  }
0x86: {  	_ =	shalt  }
0x87: {  	_ =	shalt  }
.Lfunc_end0:
.L_simem_size_0:
called_computation_lowered:
.L_overlay_start_0:
0x88: {  	s2 =	sld [smem:$0x3FD9]  }
0x89: {  	s3 =	sld [smem:$0x3FFE];
	_ =	sdelay $0x1  }
0x8a: {  	s1 =	srdreg.scid  }
0x8b: {  	s0 =	sand.u32 $0x1, s1  }
0x8c: {  	s17 =	sshll.u32 s0, $0xA;
	s2 =	sadd.s32 s3, s2  }
0x8d: {  	s2 =	sadd.s32 s2, s17  }
0x8e: {  	[smem:$0x3FBB] =	sst s2  }
0x8f: {  	_ = 	snop  }
0x90: {  	s2 =	sld [smem:$0x3FD0];
	(tm) =	ssettm $0x1  }
0x91: {  	s18 =	sld [smem:$0x3FFB];
	_ =	sdelay $0x3  }
0x92: {  	_ =	strace s18  }
0x93: {  	s3 =	sld [smem:$0x3FFC];
	_ =	sdelay $0x3  }
0x94: {  	_ =	strace s3  }
0x95: {  	s3 =	sld [smem:$0x3FFD];
	_ =	sdelay $0x3  }
0x96: {  	_ =	strace s3  }
0x97: {  	_ =	strace $0x8FFFFFFF  }
0x98: {  	s19 =	sld [smem:$0x3FDB];
	_ =	sdelay $0x1  }
0x99: {  	s4 =	simm.s32 $_scs_section_size  }
0x9a: {  	s5 =	simm.s32 $_size__tile_overlayer_lowered;
	s6 =	simm.s32 $_tile_overlayer_lowered  }
0x9b: {  	s22 =	simm.s32 $0x1BFF;
	s21 =	sshll.u32 s6, $0x1;
	s3 =	sadd.s32 s4, s19  }
0x9c: {  	s7 =	simm.s32 $0x0;
	s20 =	sshll.u32 s5, $0x1;
	s5 =	sadd.s32 s21, s3  }
0x9d: {  	[timem:s7], [sflag:s22] =	dma.local [hbm:s5], s20  }
0x9e: {  	_ =	swait.ge [sflag:s22], s20  }
0x9f: {  	s4 =	ssub.s32 $0x0, s20;
	[sflag:s22] =	ssyncset.done $0x0  }
0xa0: {  	[sflag:s22] =	ssyncadd.s32 s4;
	_ =	sdelay $0x1  }
0xa1: {  	s23 =	simm.s32 $0x1B8B  }
0xa2: {  	_ =	swait.ge [sflag:s23], $0x1  }
0xa3: {  	[sflag:s23] =	ssyncset.done $0x0  }
0xa4: {  	s25 =	simm.s32 $0x1B8E;
	s24 =	sld [smem:$0x3FFE];
	[sflag:s23] =	ssyncadd.s32 $0xFFFFFFFF  }
0xa5: {  	s26 =	simm.s32 $execute0_lowered;
	[smem:$0x3FD2] =	sst s25  }
0xa6: {  	s5 =	sshll.u32 s26, $0x1;
	_ =	strace $0x80000046;
	[dreg:$0x1] =	wrdreg $0xFFFFFFFF  }
0xa7: {  	s28 =	simm.s32 $_size_execute0_lowered;
	s3 =	sadd.s32 s3, s5;
	[dreg:$0x0] =	wrdreg $0x0  }
0xa8: {  	s5 =	sshll.u32 s28, $0x1;
	[dreg:$0x2] =	wrdreg s3  }
0xa9: {  	[dreg:$0x3] =	wrdreg s5  }
0xaa: {  	[dreg:$0x4] =	wrdreg $0xC0  }
0xab: {  	_ =	task [dreg:s7], $0x5FFFF  }
0xac: {  	[dreg:$0x1] =	wrdreg $0xFFFFFFFF  }
0xad: {  	[dreg:$0x0] =	wrdreg $0x60  }
0xae: {  	[dreg:$0x2] =	wrdreg s2  }
0xaf: {  	[dreg:$0x3] =	wrdreg s24  }
0xb0: {  	[dreg:$0x4] =	wrdreg $0xA2000  }
0xb1: {  	[dreg:$0x5] =	wrdreg $0x9  }
0xb2: {  	_ =	task.clear_ibuf [dreg:s7], $0x6FFFF;
	_ =	strace $0x90000046  }
0xb3: {  	s29 =	simm.s32 $0x9;
	_ =	strace $0x80000048  }
0xb4: {  	_ =	swait.ge [sflag:s29], $0x1  }
0xb5: {  	[sflag:s29] =	ssyncadd.s32 $0xFFFFFFFF  }
0xb6: {  	_ =	strace $0x90000048  }
0xb7: {  	_ =	sfence  }
0xb8: {  	s30 =	sld [smem:$0x0];
	_ =	sdelay $0x2  }
0xb9: {  	s31 =	sshll.u32 s1, $0xD;
	s1 =	sshrl.u32 s1, $0x2  }
0xba: {  	s3 =	sand.u32 $0x4000, s31;
	s1 =	sadd.s32 s1, s30  }
0xbb: {  	s0 =	sor.u32 s3, s0;
	s1 =	sshll.u32 s1, $0x11  }
0xbc: {  	s0 =	sor.u32 s1, s0  }
0xbd: {  	s0 =	sadd.s32 $0x8F2B, s0  }
0xbe: {  	[sflag:s0] =	ssyncadd.remote.s32 $0x1  }
0xbf: {  	_ =	sfence.sel $0xFFFF  }
0xc0: {  	[dreg:$0x0] =	wrdreg $0xFFFFFFFF;
	(pc) =	sbr.abs _section_cstart, $3  }
0xc1: {  	[dreg:$0x1] =	wrdreg $0xFFFFFFFF  }
0xc2: {  	_ =	task.clear_ibuf [dreg:s7], $0x2FFFF;
	_ =	strace $0x9FFFFFFF  }
0xc3: {  	(tm) =	ssettm $0x7FFFFFFF  }
tec
execute0_lowered:
.L_overlay_start_1:
0x0: {  	(tag) =	ssettag $0x1  }
0x1: {  	s0 =	rddreg [dreg:$0x0]  }
0x2: {  	s1 =	rddreg [dreg:$0x1]  }
0x3: {  	s2 =	srdreg.scid;
	s3 =	rddreg [dreg:$0x2]  }
0x4: {  	s9 =	stileid.u32;
	s6 =	simm.s32 $0x0;
	s29 =	simm.s32 $0x100  }
0x5: {  	s30 =	simm.s32 $0x80;
	s31 =	simm.s32 $0x180;
	s11 =	simm.s32 $0x2A00  }
0x6: {  	s13 =	simm.s32 $0x5;
	s2 =	sand.u32 $0x1, s2;
	s5 =	smul.u32 $0x14000, s9  }
0x7: {  	[smem:$0x7FF] =	sst s6;
	s8 =	smul.u32 $0x50000, s9;
	s6 =	sadd.s32 $0x1A00, s1  }
0x8: {  	s7 =	sadd.s32 $0x15600, s1;
	s9 =	sshll.u32 s9, $0x1;
	s4 =	smul.u32 $0x140000, s2  }
0x9: {  	_ =	strace $0x80000047;
	s14 =	ssub.s32 $0x2, s2;
	s2 =	sor.u32 s2, s9  }
0xa: {  	s8 =	sshrl.u32 s8, $0x2;
	s10 =	sshrl.u32 s14, $0x1;
	s15 =	smul.u32 $0x2710, s2  }
0xb: {  	s2 =	smul.u32 $0x27100, s2;
	s4 =	sadd.s32 s5, s4;
	s12 =	sadd.s32 s8, s3  }
0xc: {  	s5 =	sadd.s32 $0xB800, s1;
	s16 =	sadd.s32 $0x2800, s12;
	[dreg:$0x4] =	wrdreg s12  }
0xd: {  	s8 =	simm.s32 $0x0;
	s17 =	sadd.s32 $0x5000, s12;
	[dreg:$0x5] =	wrdreg s16  }
0xe: {  	s4 =	sshrl.u32 s4, $0x3;
	s18 =	sadd.s32 $0x7800, s12;
	[dreg:$0x6] =	wrdreg s17  }
0xf: {  	s19 =	sadd.s32 $0xA000, s12;
	s20 =	sadd.s32 $0xC800, s12;
	[dreg:$0x7] =	wrdreg s18  }
0x10: {  	s21 =	sadd.s32 $0xF000, s12;
	s22 =	sadd.s32 $0x11800, s12;
	[dreg:$0x8] =	wrdreg s19  }
0x11: {  	s23 =	sshrl.u32 s15, $0x3;
	s2 =	sadd.s32 s7, s2;
	[dreg:$0x9] =	wrdreg s20  }
0x12: {  	s1 =	sadd.s32 s4, s1;
	s4 =	ssub.s32 s14, s10;
	[dreg:$0xa] =	wrdreg s21  }
0x13: {  	[dreg:$0xb] =	wrdreg s22;
	s16 =	sadd.s32 $0x50, s15;
	s24 =	sadd.s32 s5, s23  }
0x14: {  	s9 =	sadd.s32 s6, s23;
	[dreg:$0x10] =	wrdreg s2;
	s22 =	sadd.s32 $0xF0, s15  }
0x15: {  	s2 =	simm.s32 $0x50;
	s10 =	simm.s32 $0x2;
	s14 =	simm.s32 $0x7  }
0x16: {  	s17 =	simm.s32 $0x9;
	s18 =	simm.s32 $0x6;
	[dreg:$0xc] =	wrdreg s24  }
0x17: {  	s19 =	simm.s32 $0x8;
	s20 =	simm.s32 $0x4;
	[dreg:$0xd] =	wrdreg s9  }
0x18: {  	s25 =	sshrl.u32 s16, $0x3;
	s1 =	sadd.s32 $0x4F7600, s1;
	s28 =	smax.u32 s4, $0x1  }
0x19: {  	s24 =	simm.s32 $0x0;
	s26 =	sadd.s32 s5, s25;
	[dreg:$0x11] =	wrdreg s1  }
0x1a: {  	s9 =	sadd.s32 s6, s25;
	[dreg:$0x12] =	wrdreg s28;
	s25 =	sadd.s32 $0xA0, s15  }
0x1b: {  	s1 =	simm.s32 $0x1;
	s15 =	simm.s32 $0x3;
	[dreg:$0xe] =	wrdreg s26  }
0x1c: {  	v0 =	vimm.f32 $0.0e+00;
	[dreg:$0xf] =	wrdreg s9;
	s26 =	simm.s32 $0x200;
	s9 =	simm.s32 $0xB  }
.LBB2_1:
0x1d: {  	[dreg:$0x13] =	wrdreg s8;
	s4 =	simm.s32 $0x0;
	s8 =	simm.s32 $0x200  }
.LBB2_2:
0x1e: {  	p0 =	sne.s32 s8, $0x9E00;
	[tilespmem:s4+$0x270] =	vst v0  }
0x1f: {  	[tilespmem:s4+$0x200] =	vst v0  }
0x20: {  	[tilespmem:s4+$0x210] =	vst v0  }
.Ltmp0:
0x21: {  	[tilespmem:s4+$0x220] =	vst v0;
	(pc) =	sbr.rel @p0 .LBB2_2-.Ltmp0, $4  }
0x22: {  	[tilespmem:s4+$0x230] =	vst v0  }
0x23: {  	[tilespmem:s4+$0x240] =	vst v0  }
0x24: {  	[tilespmem:s4+$0x250] =	vst v0  }
0x25: {  	[tilespmem:s4+$0x260] =	vst v0;
	s4 =	sshra.s32 s8, $0x2;
	s8 =	sadd.s32 $0x200, s8  }
0x26: {  	[tilespmem:s4+$0x270] =	vst v0  }
0x27: {  	[tilespmem:s4+$0x200] =	vst v0  }
0x28: {  	[tilespmem:s4+$0x210] =	vst v0  }
0x29: {  	[tilespmem:s4+$0x220] =	vst v0  }
0x2a: {  	[tilespmem:s4+$0x230] =	vst v0  }
0x2b: {  	[tilespmem:s4+$0x240] =	vst v0  }
0x2c: {  	[tilespmem:s4+$0x250] =	vst v0  }
0x2d: {  	[tilespmem:s4+$0x260] =	vst v0  }
0x2e: {  	[spmem:s12] =	stream.linear.scatter [tilespmem:s26], [sflag:$0xB], $0x2800, $0x38;
	[tilespmem:$0x1E200] =	vst v63  }
0x2f: {  	_ =	swait.ge [sflag:s9], $0x2800  }
0x30: {  	[sflag:s9] =	ssyncset.done $0x0  }
0x31: {  	s28 =	rddreg [dreg:$0x5];
	[sflag:s9] =	ssyncadd.s32 $0xFFFFD800  }
0x32: {  	[spmem:s28] =	stream.linear.scatter [tilespmem:s26], [sflag:$0xB], $0x2800, $0x38;
	[tilespmem:$0x1E200] =	vst v63  }
0x33: {  	_ =	swait.ge [sflag:s9], $0x2800  }
0x34: {  	[sflag:s9] =	ssyncset.done $0x0  }
0x35: {  	s8 =	rddreg [dreg:$0x6];
	[sflag:s9] =	ssyncadd.s32 $0xFFFFD800  }
0x36: {  	[spmem:s8] =	stream.linear.scatter [tilespmem:s26], [sflag:$0xB], $0x2800, $0x38;
	[tilespmem:$0x1E200] =	vst v63  }
0x37: {  	_ =	swait.ge [sflag:s9], $0x2800  }
0x38: {  	[sflag:s9] =	ssyncset.done $0x0  }
0x39: {  	s12 =	rddreg [dreg:$0x7];
	[sflag:s9] =	ssyncadd.s32 $0xFFFFD800  }
0x3a: {  	[spmem:s12] =	stream.linear.scatter [tilespmem:s26], [sflag:$0xB], $0x2800, $0x38;
	[tilespmem:$0x1E200] =	vst v63  }
0x3b: {  	_ =	swait.ge [sflag:s9], $0x2800  }
0x3c: {  	[sflag:s9] =	ssyncset.done $0x0  }
0x3d: {  	s21 =	rddreg [dreg:$0x8];
	[sflag:s9] =	ssyncadd.s32 $0xFFFFD800  }
0x3e: {  	[spmem:s21] =	stream.linear.scatter [tilespmem:s26], [sflag:$0xB], $0x2800, $0x38;
	[tilespmem:$0x1E200] =	vst v63  }
0x3f: {  	_ =	swait.ge [sflag:s9], $0x2800  }
0x40: {  	[sflag:s9] =	ssyncset.done $0x0  }
0x41: {  	s23 =	rddreg [dreg:$0x9];
	[sflag:s9] =	ssyncadd.s32 $0xFFFFD800  }
0x42: {  	[spmem:s23] =	stream.linear.scatter [tilespmem:s26], [sflag:$0xB], $0x2800, $0x38;
	[tilespmem:$0x1E200] =	vst v63  }
0x43: {  	_ =	swait.ge [sflag:s9], $0x2800  }
0x44: {  	[sflag:s9] =	ssyncset.done $0x0  }
0x45: {  	s28 =	rddreg [dreg:$0xa];
	[sflag:s9] =	ssyncadd.s32 $0xFFFFD800  }
0x46: {  	[spmem:s28] =	stream.linear.scatter [tilespmem:s26], [sflag:$0xB], $0x2800, $0x38;
	[tilespmem:$0x1E200] =	vst v63  }
0x47: {  	_ =	swait.ge [sflag:s9], $0x2800  }
0x48: {  	[sflag:s9] =	ssyncset.done $0x0  }
0x49: {  	s8 =	rddreg [dreg:$0xb];
	[sflag:s9] =	ssyncadd.s32 $0xFFFFD800  }
0x4a: {  	[spmem:s8] =	stream.linear.scatter [tilespmem:s26], [sflag:$0xB], $0x2800, $0x38;
	[tilespmem:$0x1E200] =	vst v63  }
0x4b: {  	_ =	swait.ge [sflag:s9], $0x2800  }
0x4c: {  	[sflag:s9] =	ssyncset.done $0x0  }
0x4d: {  	[sflag:s9] =	ssyncadd.s32 $0xFFFFD800  }
0x4e: {  	[bflag:$0x0] =	sbarrier.arrive $0xFFFF  }
0x4f: {  	s9 =	rddreg [dreg:$0xc]  }
0x50: {  	[tilespmem:s24], [sflag:$0x1] =	stream.linear.gather [hbm4b:s9+s24], $0x50, $0x38;
	[tilespmem:$0x1E200] =	vst v63  }
0x51: {  	s12 =	rddreg [dreg:$0xd]  }
0x52: {  	[tilespmem:s29], [sflag:$0x3] =	stream.linear.gather [hbm4b:s12+s24], $0x50, $0x38;
	[tilespmem:$0x1E200] =	vst v63  }
0x53: {  	s21 =	rddreg [dreg:$0xe]  }
0x54: {  	[tilespmem:s30], [sflag:$0x2] =	stream.linear.gather [hbm4b:s21+s24], $0x50, $0x38;
	[tilespmem:$0x1E200] =	vst v63  }
0x55: {  	s23 =	rddreg [dreg:$0xf]  }
0x56: {  	[tilespmem:s31], [sflag:$0x4] =	stream.linear.gather [hbm4b:s23+s24], $0x50, $0x38;
	[tilespmem:$0x1E200] =	vst v63  }
0x57: {  	_ =	swait.ge [sflag:s1], $0x50  }
0x58: {  	[sflag:s1] =	ssyncset.done $0x0  }
0x59: {  	[sflag:s1] =	ssyncadd.s32 $0xFFFFFFB0  }
0x5a: {  	[tilespmem:s26], [sflag:$0x5] =	stream.indirect.gather [hbm4b:s0+s2], $0x80, s24, s2, $0xb8;
	[tilespmem:$0x1E200] =	vst v63  }
0x5b: {  	s8 =	simm.s32 $0x5200;
	s21 =	simm.s32 $0x0;
	s28 =	rddreg [dreg:$0x10]  }
0x5c: {  	[tilespmem:s8], [sflag:$0x7] =	stream.linear.gather [hbm4b:s28+s24], $0x2800, $0x38;
	[tilespmem:$0x1E200] =	vst v63  }
.LBB2_4:
0x5d: {  	_ =	swait.ge [sflag:s10], $0x50  }
0x5e: {  	p0 =	seq.s32 s21, $0x0;
	[sflag:s10] =	ssyncset.done $0x0  }
0x5f: {  	s23 =	smul.u32 $0xA0, s21;
	s4 =	simm.s32 @!p0 $0xA;
	[sflag:s10] =	ssyncadd.s32 $0xFFFFFFB0  }
0x60: {  	_ =	swait.ge @!p0 [sflag:s4], $0x2800  }
0x61: {  	s8 =	sadd.s32 s23, s16;
	[sflag:s4] =	ssyncset.done @!p0 $0x0  }
0x62: {  	s8 =	sshll.u32 s8, $0x4;
	[sflag:s4] =	ssyncadd.s32 @!p0 $0xFFFFD800  }
0x63: {  	[tilespmem:s11], [sflag:$0x6] =	stream.indirect.gather [hbm4b:s0+s2], $0x80, s30, s2, $0xb8;
	[tilespmem:$0x1E200] =	vst v63  }
0x64: {  	s9 =	simm.s32 $0x7A00;
	s8 =	sadd.s32 s7, s8  }
0x65: {  	[tilespmem:s9], [sflag:$0x8] =	stream.linear.gather [hbm4b:s8+s24], $0x2800, $0x38;
	[tilespmem:$0x1E200] =	vst v63  }
0x66: {  	_ =	swait.ge [sflag:s13], $0x2800  }
0x67: {  	[sflag:s13] =	ssyncset.done $0x0  }
0x68: {  	[sflag:s13] =	ssyncadd.s32 $0xFFFFD800  }
0x69: {  	s8 =	sadd.s32 s25, s23;
	_ =	swait.ge [sflag:s14], $0x2800  }
0x6a: {  	s23 =	sshrl.u32 s8, $0x3;
	[sflag:s14] =	ssyncset.done $0x0  }
0x6b: {  	s4 =	simm.s32 $0x0;
	s12 =	sadd.s32 s5, s23;
	[sflag:s14] =	ssyncadd.s32 $0xFFFFD800  }
0x6c: {  	[tilespmem:s24], [sflag:$0x1] =	stream.linear.gather [hbm4b:s12+s24], $0x50, $0x38;
	[tilespmem:$0x1E200] =	vst v63  }
0x6d: {  	v5 =	vld [tilespmem:s4+$0x5200]  }
0x6e: {  	v3 =	vld [tilespmem:s4+$0x5210]  }
0x6f: {  	v2 =	vld [tilespmem:s4+$0x5220]  }
0x70: {  	v1 =	vld [tilespmem:s4+$0x5230]  }
0x71: {  	v9 =	vld [tilespmem:s4+$0x200]  }
0x72: {  	v8 =	vld [tilespmem:s4+$0x240]  }
0x73: {  	v7 =	vld [tilespmem:s4+$0x210]  }
0x74: {  	v6 =	vld [tilespmem:s4+$0x250]  }
0x75: {  	v4 =	vld [tilespmem:s4+$0x220];
	v11 =	vshll.u32 v5, $0x10  }
0x76: {  	s28 =	sshll.u32 s21, $0x1;
	s12 =	simm.s32 $0x200;
	v10 =	vand.u32 $0xFFFF0000, v5;
	v5 =	vld [tilespmem:s4+$0x260];
	v9 =	vadd.f32 v11, v9  }
.LBB2_5:
0x77: {  	p0 =	sne.s32 s12, $0x9E00;
	v8 =	vadd.f32 v10, v8;
	v10 =	vshll.u32 v3, $0x10;
	v11 =	vld [tilespmem:s4+$0x230]  }
0x78: {  	s9 =	sshra.s32 s12, $0x2;
	v3 =	vand.u32 $0xFFFF0000, v3;
	v9 =	vmax.f32 v9, $0.0e+00;
	v7 =	vadd.f32 v10, v7;
	v10 =	vld [tilespmem:s4+$0x270]  }
0x79: {  	v12 =	vld [tilespmem:s9+$0x5200];
	[tilespmem:s4+$0x200] =	vst v9;
	v8 =	vmax.f32 v8, $0.0e+00;
	v6 =	vadd.f32 v3, v6;
	v9 =	vshll.u32 v2, $0x10  }
0x7a: {  	v3 =	vld [tilespmem:s9+$0x5210];
	[tilespmem:s4+$0x240] =	vst v8;
	v7 =	vmax.f32 v7, $0.0e+00;
	v8 =	vand.u32 $0xFFFF0000, v2;
	v4 =	vadd.f32 v9, v4  }
0x7b: {  	v2 =	vld [tilespmem:s9+$0x5220];
	[tilespmem:s4+$0x210] =	vst v7;
	v6 =	vmax.f32 v6, $0.0e+00;
	v5 =	vadd.f32 v8, v5;
	v7 =	vshll.u32 v1, $0x10  }
0x7c: {  	[tilespmem:s4+$0x250] =	vst v6;
	v4 =	vmax.f32 v4, $0.0e+00;
	v6 =	vand.u32 $0xFFFF0000, v1;
	v1 =	vld [tilespmem:s9+$0x5230];
	v7 =	vadd.f32 v7, v11  }
0x7d: {  	v9 =	vld [tilespmem:s9+$0x200];
	[tilespmem:s4+$0x220] =	vst v4;
	v4 =	vmax.f32 v5, $0.0e+00;
	v5 =	vadd.f32 v6, v10  }
.Ltmp1:
0x7e: {  	v8 =	vld [tilespmem:s9+$0x240];
	[tilespmem:s4+$0x260] =	vst v4;
	v4 =	vmax.f32 v7, $0.0e+00;
	(pc) =	sbr.rel @p0 .LBB2_5-.Ltmp1, $4  }
0x7f: {  	v7 =	vld [tilespmem:s9+$0x210];
	[tilespmem:s4+$0x230] =	vst v4;
	v4 =	vmax.f32 v5, $0.0e+00  }
0x80: {  	v6 =	vld [tilespmem:s9+$0x250];
	[tilespmem:s4+$0x270] =	vst v4;
	s4 =	smov.u32 s9  }
0x81: {  	v5 =	vshll.u32 v12, $0x10;
	v4 =	vld [tilespmem:s4+$0x220]  }
0x82: {  	s12 =	sadd.s32 $0x200, s12;
	v10 =	vand.u32 $0xFFFF0000, v12;
	v9 =	vadd.f32 v5, v9;
	v5 =	vld [tilespmem:s4+$0x260]  }
0x83: {  	v8 =	vadd.f32 v10, v8;
	v10 =	vshll.u32 v3, $0x10;
	v11 =	vld [tilespmem:s4+$0x230]  }
0x84: {  	v3 =	vand.u32 $0xFFFF0000, v3;
	v9 =	vmax.f32 v9, $0.0e+00;
	v7 =	vadd.f32 v10, v7;
	v10 =	vld [tilespmem:s4+$0x270]  }
0x85: {  	[tilespmem:s4+$0x200] =	vst v9;
	v8 =	vmax.f32 v8, $0.0e+00;
	v3 =	vadd.f32 v3, v6;
	v6 =	vshll.u32 v2, $0x10  }
0x86: {  	v2 =	vand.u32 $0xFFFF0000, v2;
	[tilespmem:s4+$0x240] =	vst v8;
	v7 =	vmax.f32 v7, $0.0e+00;
	v4 =	vadd.f32 v6, v4  }
0x87: {  	[tilespmem:s4+$0x210] =	vst v7;
	v3 =	vmax.f32 v3, $0.0e+00;
	v2 =	vadd.f32 v2, v5;
	v5 =	vshll.u32 v1, $0x10  }
0x88: {  	v1 =	vand.u32 $0xFFFF0000, v1;
	[tilespmem:s4+$0x250] =	vst v3;
	v3 =	vmax.f32 v4, $0.0e+00;
	v4 =	vadd.f32 v5, v11  }
0x89: {  	[tilespmem:s4+$0x220] =	vst v3;
	v2 =	vmax.f32 v2, $0.0e+00;
	v1 =	vadd.f32 v1, v10  }
0x8a: {  	[tilespmem:s4+$0x260] =	vst v2;
	v2 =	vmax.f32 v4, $0.0e+00  }
0x8b: {  	[tilespmem:s4+$0x230] =	vst v2;
	v1 =	vmax.f32 v1, $0.0e+00  }
0x8c: {  	[tilespmem:s4+$0x270] =	vst v1  }
0x8d: {  	_ =	swait.ge [sflag:s15], $0x50  }
0x8e: {  	[sflag:s15] =	ssyncset.done $0x0  }
0x8f: {  	[sflag:s15] =	ssyncadd.s32 $0xFFFFFFB0  }
0x90: {  	[spmem:s3] =	stream.indirect.scatter.add.f32 [tilespmem:s26], [sflag:$0x9], $0x80, s29, s2, $0xb8;
	[tilespmem:$0x1E200] =	vst v63  }
0x91: {  	s23 =	sadd.s32 s6, s23;
	s9 =	simm.s32 $0x0  }
0x92: {  	[tilespmem:s29], [sflag:$0x3] =	stream.linear.gather [hbm4b:s23+s9], $0x50, $0x38;
	[tilespmem:$0x1E200] =	vst v63  }
0x93: {  	_ =	swait.ge [sflag:s1], $0x50  }
0x94: {  	[sflag:s1] =	ssyncset.done $0x0  }
0x95: {  	[sflag:s1] =	ssyncadd.s32 $0xFFFFFFB0  }
0x96: {  	_ =	swait.ge [sflag:s17], $0x2800  }
0x97: {  	[sflag:s17] =	ssyncset.done $0x0  }
0x98: {  	s12 =	sshll.u32 s8, $0x4;
	[sflag:s17] =	ssyncadd.s32 $0xFFFFD800  }
0x99: {  	[tilespmem:s26], [sflag:$0x5] =	stream.indirect.gather [hbm4b:s0+s2], $0x80, s9, s2, $0xb8;
	[tilespmem:$0x1E200] =	vst v63  }
0x9a: {  	s4 =	sadd.s32 s7, s12;
	s23 =	simm.s32 $0x5200  }
0x9b: {  	[tilespmem:s23], [sflag:$0x7] =	stream.linear.gather [hbm4b:s4+s9], $0x2800, $0x38;
	[tilespmem:$0x1E200] =	vst v63  }
0x9c: {  	s28 =	smin.u32 s28, $0x79;
	_ =	swait.ge [sflag:s18], $0x2800  }
0x9d: {  	s4 =	smul.u32 $0x50, s28;
	[sflag:s18] =	ssyncset.done $0x0  }
0x9e: {  	[sflag:s18] =	ssyncadd.s32 $0xFFFFD800  }
0x9f: {  	s4 =	sadd.s32 s4, s22;
	_ =	swait.ge [sflag:s19], $0x2800  }
0xa0: {  	s8 =	sshrl.u32 s4, $0x3;
	[sflag:s19] =	ssyncset.done $0x0  }
0xa1: {  	s4 =	sadd.s32 s5, s8;
	[sflag:s19] =	ssyncadd.s32 $0xFFFFD800  }
0xa2: {  	[tilespmem:s30], [sflag:$0x2] =	stream.linear.gather [hbm4b:s4+s9], $0x50, $0x38;
	[tilespmem:$0x1E200] =	vst v63  }
0xa3: {  	s4 =	simm.s32 $0x0  }
0xa4: {  	v4 =	vld [tilespmem:s4+$0x7A00]  }
0xa5: {  	v3 =	vld [tilespmem:s4+$0x7A10]  }
0xa6: {  	v2 =	vld [tilespmem:s4+$0x7A20]  }
0xa7: {  	v1 =	vld [tilespmem:s4+$0x7A30]  }
0xa8: {  	v9 =	vld [tilespmem:s4+$0x2A00]  }
0xa9: {  	v8 =	vld [tilespmem:s4+$0x2A40]  }
0xaa: {  	v7 =	vld [tilespmem:s4+$0x2A10]  }
0xab: {  	v6 =	vld [tilespmem:s4+$0x2A50]  }
0xac: {  	v5 =	vld [tilespmem:s4+$0x2A20];
	v11 =	vshll.u32 v4, $0x10  }
0xad: {  	s12 =	simm.s32 $0x200;
	v10 =	vand.u32 $0xFFFF0000, v4;
	v4 =	vld [tilespmem:s4+$0x2A60];
	v9 =	vadd.f32 v11, v9  }
.LBB2_7:
0xae: {  	p0 =	sne.s32 s12, $0x9E00;
	v8 =	vadd.f32 v10, v8;
	v10 =	vshll.u32 v3, $0x10;
	v11 =	vld [tilespmem:s4+$0x2A30]  }
0xaf: {  	s9 =	sshra.s32 s12, $0x2;
	v3 =	vand.u32 $0xFFFF0000, v3;
	v9 =	vmax.f32 v9, $0.0e+00;
	v7 =	vadd.f32 v10, v7;
	v10 =	vld [tilespmem:s4+$0x2A70]  }
0xb0: {  	v12 =	vld [tilespmem:s9+$0x7A00];
	[tilespmem:s4+$0x2A00] =	vst v9;
	v8 =	vmax.f32 v8, $0.0e+00;
	v6 =	vadd.f32 v3, v6;
	v9 =	vshll.u32 v2, $0x10  }
0xb1: {  	v3 =	vld [tilespmem:s9+$0x7A10];
	[tilespmem:s4+$0x2A40] =	vst v8;
	v7 =	vmax.f32 v7, $0.0e+00;
	v8 =	vand.u32 $0xFFFF0000, v2;
	v5 =	vadd.f32 v9, v5  }
0xb2: {  	v2 =	vld [tilespmem:s9+$0x7A20];
	[tilespmem:s4+$0x2A10] =	vst v7;
	v6 =	vmax.f32 v6, $0.0e+00;
	v4 =	vadd.f32 v8, v4;
	v7 =	vshll.u32 v1, $0x10  }
0xb3: {  	[tilespmem:s4+$0x2A50] =	vst v6;
	v5 =	vmax.f32 v5, $0.0e+00;
	v6 =	vand.u32 $0xFFFF0000, v1;
	v1 =	vld [tilespmem:s9+$0x7A30];
	v7 =	vadd.f32 v7, v11  }
0xb4: {  	v9 =	vld [tilespmem:s9+$0x2A00];
	[tilespmem:s4+$0x2A20] =	vst v5;
	v4 =	vmax.f32 v4, $0.0e+00;
	v5 =	vadd.f32 v6, v10  }
.Ltmp2:
0xb5: {  	v8 =	vld [tilespmem:s9+$0x2A40];
	[tilespmem:s4+$0x2A60] =	vst v4;
	v4 =	vmax.f32 v7, $0.0e+00;
	(pc) =	sbr.rel @p0 .LBB2_7-.Ltmp2, $4  }
0xb6: {  	v7 =	vld [tilespmem:s9+$0x2A10];
	[tilespmem:s4+$0x2A30] =	vst v4;
	v4 =	vmax.f32 v5, $0.0e+00  }
0xb7: {  	v6 =	vld [tilespmem:s9+$0x2A50];
	[tilespmem:s4+$0x2A70] =	vst v4;
	s4 =	smov.u32 s9  }
0xb8: {  	v4 =	vshll.u32 v12, $0x10;
	v5 =	vld [tilespmem:s4+$0x2A20]  }
0xb9: {  	s12 =	sadd.s32 $0x200, s12;
	v10 =	vand.u32 $0xFFFF0000, v12;
	v9 =	vadd.f32 v4, v9;
	v4 =	vld [tilespmem:s4+$0x2A60]  }
0xba: {  	v8 =	vadd.f32 v10, v8;
	v60 =	vshll.u32 v3, $0x10;
	v11 =	vld [tilespmem:s4+$0x2A30]  }
0xbb: {  	v3 =	vand.u32 $0xFFFF0000, v3;
	v61 =	vld [tilespmem:s4+$0x2A70];
	v9 =	vmax.f32 v9, $0.0e+00;
	v7 =	vadd.f32 v60, v7  }
0xbc: {  	v62 =	vshll.u32 v2, $0x10;
	[tilespmem:s4+$0x2A00] =	vst v9;
	v8 =	vmax.f32 v8, $0.0e+00;
	v3 =	vadd.f32 v3, v6  }
0xbd: {  	v2 =	vand.u32 $0xFFFF0000, v2;
	[tilespmem:s4+$0x2A40] =	vst v8;
	v7 =	vmax.f32 v7, $0.0e+00;
	v5 =	vadd.f32 v62, v5  }
0xbe: {  	v63 =	vshll.u32 v1, $0x10;
	[tilespmem:s4+$0x2A10] =	vst v7;
	v3 =	vmax.f32 v3, $0.0e+00;
	v2 =	vadd.f32 v2, v4  }
0xbf: {  	v1 =	vand.u32 $0xFFFF0000, v1;
	[tilespmem:s4+$0x2A50] =	vst v3;
	v3 =	vmax.f32 v5, $0.0e+00;
	v4 =	vadd.f32 v63, v11  }
0xc0: {  	v1 =	vadd.f32 v1, v61;
	[tilespmem:s4+$0x2A20] =	vst v3;
	v2 =	vmax.f32 v2, $0.0e+00  }
0xc1: {  	[tilespmem:s4+$0x2A60] =	vst v2;
	v2 =	vmax.f32 v4, $0.0e+00  }
0xc2: {  	v1 =	vmax.f32 v1, $0.0e+00;
	[tilespmem:s4+$0x2A30] =	vst v2  }
0xc3: {  	s21 =	sadd.s32 $0x1, s21;
	[tilespmem:s4+$0x2A70] =	vst v1  }
0xc4: {  	p0 =	sne.s32 s21, $0x3E;
	_ =	swait.ge [sflag:s20], $0x50  }
.Ltmp3:
0xc5: {  	[sflag:s20] =	ssyncset.done $0x0;
	(pc) =	sbr.rel @p0 .LBB2_4-.Ltmp3, $4  }
0xc6: {  	[sflag:s20] =	ssyncadd.s32 $0xFFFFFFB0  }
0xc7: {  	[spmem:s3] =	stream.indirect.scatter.add.f32 [tilespmem:s11], [sflag:$0xA], $0x80, s31, s2, $0xb8;
	[tilespmem:$0x1E200] =	vst v63  }
0xc8: {  	s23 =	sadd.s32 s6, s8;
	s28 =	simm.s32 $0x0  }
0xc9: {  	[tilespmem:s31], [sflag:$0x4] =	stream.linear.gather [hbm4b:s23+s28], $0x50, $0x38;
	[tilespmem:$0x1E200] =	vst v63  }
0xca: {  	_ =	swait.ge [sflag:s13], $0x2800  }
0xcb: {  	[sflag:s13] =	ssyncset.done $0x0  }
0xcc: {  	[sflag:s13] =	ssyncadd.s32 $0xFFFFD800  }
0xcd: {  	_ =	swait.ge [sflag:s14], $0x2800  }
0xce: {  	[sflag:s14] =	ssyncset.done $0x0  }
0xcf: {  	s4 =	simm.s32 $0x0;
	[sflag:s14] =	ssyncadd.s32 $0xFFFFD800  }
0xd0: {  	v4 =	vld [tilespmem:s4+$0x5200]  }
0xd1: {  	v3 =	vld [tilespmem:s4+$0x5210]  }
0xd2: {  	v2 =	vld [tilespmem:s4+$0x5220]  }
0xd3: {  	v1 =	vld [tilespmem:s4+$0x5230]  }
0xd4: {  	v9 =	vld [tilespmem:s4+$0x200]  }
0xd5: {  	v8 =	vld [tilespmem:s4+$0x240]  }
0xd6: {  	v7 =	vld [tilespmem:s4+$0x210]  }
0xd7: {  	v6 =	vld [tilespmem:s4+$0x250]  }
0xd8: {  	v5 =	vld [tilespmem:s4+$0x220];
	v11 =	vshll.u32 v4, $0x10  }
0xd9: {  	s8 =	simm.s32 $0x200;
	v10 =	vand.u32 $0xFFFF0000, v4;
	v4 =	vld [tilespmem:s4+$0x260];
	v9 =	vadd.f32 v11, v9  }
.LBB2_10:
0xda: {  	p0 =	sne.s32 s8, $0x9E00;
	v8 =	vadd.f32 v10, v8;
	v10 =	vshll.u32 v3, $0x10;
	v11 =	vld [tilespmem:s4+$0x230]  }
0xdb: {  	s9 =	sshra.s32 s8, $0x2;
	v3 =	vand.u32 $0xFFFF0000, v3;
	v9 =	vmax.f32 v9, $0.0e+00;
	v7 =	vadd.f32 v10, v7;
	v10 =	vld [tilespmem:s4+$0x270]  }
0xdc: {  	v12 =	vld [tilespmem:s9+$0x5200];
	[tilespmem:s4+$0x200] =	vst v9;
	v8 =	vmax.f32 v8, $0.0e+00;
	v6 =	vadd.f32 v3, v6;
	v9 =	vshll.u32 v2, $0x10  }
0xdd: {  	v3 =	vld [tilespmem:s9+$0x5210];
	[tilespmem:s4+$0x240] =	vst v8;
	v7 =	vmax.f32 v7, $0.0e+00;
	v8 =	vand.u32 $0xFFFF0000, v2;
	v5 =	vadd.f32 v9, v5  }
0xde: {  	v2 =	vld [tilespmem:s9+$0x5220];
	[tilespmem:s4+$0x210] =	vst v7;
	v6 =	vmax.f32 v6, $0.0e+00;
	v4 =	vadd.f32 v8, v4;
	v7 =	vshll.u32 v1, $0x10  }
0xdf: {  	[tilespmem:s4+$0x250] =	vst v6;
	v5 =	vmax.f32 v5, $0.0e+00;
	v6 =	vand.u32 $0xFFFF0000, v1;
	v1 =	vld [tilespmem:s9+$0x5230];
	v7 =	vadd.f32 v7, v11  }
0xe0: {  	v9 =	vld [tilespmem:s9+$0x200];
	[tilespmem:s4+$0x220] =	vst v5;
	v4 =	vmax.f32 v4, $0.0e+00;
	v5 =	vadd.f32 v6, v10  }
.Ltmp4:
0xe1: {  	v8 =	vld [tilespmem:s9+$0x240];
	[tilespmem:s4+$0x260] =	vst v4;
	v4 =	vmax.f32 v7, $0.0e+00;
	(pc) =	sbr.rel @p0 .LBB2_10-.Ltmp4, $4  }
0xe2: {  	v7 =	vld [tilespmem:s9+$0x210];
	[tilespmem:s4+$0x230] =	vst v4;
	v4 =	vmax.f32 v5, $0.0e+00  }
0xe3: {  	v6 =	vld [tilespmem:s9+$0x250];
	[tilespmem:s4+$0x270] =	vst v4;
	s4 =	smov.u32 s9  }
0xe4: {  	v4 =	vshll.u32 v12, $0x10;
	v5 =	vld [tilespmem:s4+$0x220]  }
0xe5: {  	s8 =	sadd.s32 $0x200, s8;
	v10 =	vand.u32 $0xFFFF0000, v12;
	v9 =	vadd.f32 v4, v9;
	v4 =	vld [tilespmem:s4+$0x260]  }
0xe6: {  	v8 =	vadd.f32 v10, v8;
	v60 =	vshll.u32 v3, $0x10;
	v11 =	vld [tilespmem:s4+$0x230]  }
0xe7: {  	v3 =	vand.u32 $0xFFFF0000, v3;
	v61 =	vld [tilespmem:s4+$0x270];
	v9 =	vmax.f32 v9, $0.0e+00;
	v7 =	vadd.f32 v60, v7  }
0xe8: {  	v62 =	vshll.u32 v2, $0x10;
	[tilespmem:s4+$0x200] =	vst v9;
	v8 =	vmax.f32 v8, $0.0e+00;
	v3 =	vadd.f32 v3, v6  }
0xe9: {  	v2 =	vand.u32 $0xFFFF0000, v2;
	[tilespmem:s4+$0x240] =	vst v8;
	v7 =	vmax.f32 v7, $0.0e+00;
	v5 =	vadd.f32 v62, v5  }
0xea: {  	v63 =	vshll.u32 v1, $0x10;
	[tilespmem:s4+$0x210] =	vst v7;
	v3 =	vmax.f32 v3, $0.0e+00;
	v2 =	vadd.f32 v2, v4  }
0xeb: {  	v1 =	vand.u32 $0xFFFF0000, v1;
	[tilespmem:s4+$0x250] =	vst v3;
	v3 =	vmax.f32 v5, $0.0e+00;
	v4 =	vadd.f32 v63, v11  }
0xec: {  	v1 =	vadd.f32 v1, v61;
	[tilespmem:s4+$0x220] =	vst v3;
	v2 =	vmax.f32 v2, $0.0e+00  }
0xed: {  	[tilespmem:s4+$0x260] =	vst v2;
	v2 =	vmax.f32 v4, $0.0e+00  }
0xee: {  	v1 =	vmax.f32 v1, $0.0e+00;
	[tilespmem:s4+$0x230] =	vst v2  }
0xef: {  	[tilespmem:s4+$0x270] =	vst v1  }
0xf0: {  	_ =	swait.ge [sflag:s15], $0x50  }
0xf1: {  	[sflag:s15] =	ssyncset.done $0x0  }
0xf2: {  	s12 =	simm.s32 $0xA;
	[sflag:s15] =	ssyncadd.s32 $0xFFFFFFB0  }
0xf3: {  	[spmem:s3] =	stream.indirect.scatter.add.f32 [tilespmem:s26], [sflag:$0x9], $0x80, s29, s2, $0xb8;
	[tilespmem:$0x1E200] =	vst v63  }
0xf4: {  	_ =	swait.ge [sflag:s12], $0x2800  }
0xf5: {  	[sflag:s12] =	ssyncset.done $0x0  }
0xf6: {  	[sflag:s12] =	ssyncadd.s32 $0xFFFFD800  }
0xf7: {  	_ =	swait.ge [sflag:s17], $0x2800  }
0xf8: {  	[sflag:s17] =	ssyncset.done $0x0  }
0xf9: {  	[sflag:s17] =	ssyncadd.s32 $0xFFFFD800  }
0xfa: {  	_ =	swait.ge [sflag:s10], $0x50  }
0xfb: {  	[sflag:s10] =	ssyncset.done $0x0  }
0xfc: {  	[sflag:s10] =	ssyncadd.s32 $0xFFFFFFB0  }
0xfd: {  	_ =	swait.ge [sflag:s20], $0x50  }
0xfe: {  	[sflag:s20] =	ssyncset.done $0x0  }
0xff: {  	[sflag:s20] =	ssyncadd.s32 $0xFFFFFFB0  }
0x100: {  	s21 =	stileid.u32;
	[bflag:$0x0] =	sbarrier.arrive $0xFFFF  }
0x101: {  	s4 =	sshll.u32 s21, $0x6;
	s12 =	rddreg [dreg:$0x4]  }
0x102: {  	s4 =	sor.u32 $0x1C0B, s4;
	s9 =	rddreg [dreg:$0x11];
	s8 =	sshrl.u32 s12, $0x3  }
0x103: {  	[hbm:s9], [sflag:s4] =	dma.local [spmem:s8], $0x2800  }
0x104: {  	s9 =	simm.s32 $0xB  }
0x105: {  	_ =	swait.ge [sflag:s9], $0x2800  }
0x106: {  	s23 =	rddreg [dreg:$0x13]  }
0x107: {  	s28 =	rddreg [dreg:$0x12];
	s8 =	sadd.s32 $0x1, s23  }
0x108: {  	p0 =	sne.s32 s8, s28  }
.Ltmp5:
0x109: {  	_ = 	snop;
	(pc) =	sbr.rel @p0 .LBB2_1-.Ltmp5, $3  }
0x10a: {  	_ =	sdelay $0x1  }
0x10b: {  	[sflag:s9] =	ssyncset.done $0x0  }
0x10c: {  	[sflag:s9] =	ssyncadd.s32 $0xFFFFD800  }
0x10d: {  	_ =	sfence.sel $0x180000  }
0x10e: {  	[bflag:$0x0] =	sbarrier.arrive $0xFFFF  }
0x10f: {  	_ =	strace $0x90000047  }
0x110: {  	s0 =	stileid.u32;
	[bflag:$0x2] =	sbarrier.arrive $0xFFFF  }
0x111: {  	p0 =	sne.s32 s0, $0x0;
	s0 =	rddreg [dreg:$0x3]  }
0x112: {  	s0 =	sadd.s32 @!p0 $0x100000, s0  }
0x113: {  	[sflag:s0] =	ssyncadd.tile.s32 @!p0 $0x1;
	_ =	shalt  }
.Lfunc_end2:
_tile_overlayer_lowered:
.L_overlay_start_2:
0x114: {  	(tag) =	ssettag $0x2  }
0x115: {  	s0 =	rddreg [dreg:$0x0];
	s2 =	stileid.u32  }
0x116: {  	s1 =	rddreg [dreg:$0x1];
	p0 =	sne.s32 s2, $0x0  }
0x117: {  	s3 =	rddreg [dreg:$0x2];
	[bflag:$0x3] =	sbarrier.arrive $0xFFFF;
	s2 =	simm.s32 @!p0 $0x1C0B  }
0x118: {  	[timem:s3], [sflag:s2] =	dma.local @!p0 [hbm:s0], s1  }
0x119: {  	s0 =	simm.s32 @!p0 $0xB  }
0x11a: {  	_ =	swait.ge @!p0 [sflag:s0], s1  }
0x11b: {  	s1 =	ssub.s32 @!p0 $0x0, s1;
	[sflag:s0] =	ssyncset.done @!p0 $0x0  }
0x11c: {  	[sflag:s0] =	ssyncadd.s32 @!p0 s1  }
0x11d: {  	[bflag:$0x3] =	sbarrier.arrive $0xFFFF  }
0x11e: {  	_ =	shalt  }

</sc_bundles>
